<compile_context>
chip_gen: v7x
topology: tpu7x:2x2x1
jax: 0.10.2.dev20260603
libtpu: 0.0.44.dev20260713+nightly
codegen_flags: <defaults>
</compile_context>

<pallas_src>
import functools

import jax
import jax.numpy as jnp
from jax import lax
from jax.experimental import pallas as pl
from jax.experimental.pallas import tpu as pltpu
from jax.experimental.pallas import tpu_sc as plsc

NC = 2
NS = 16
NW = NC * NS
K = 80
DEGW = 16



def _sc_deg(n, nch):
    mesh = plsc.VectorSubcoreMesh(core_axis_name="c", subcore_axis_name="s")
    rows = n // NS
    G = 5
    ngrp = nch // G
    assert nch % G == 0

    @functools.partial(
        pl.kernel,
        out_type=jax.ShapeDtypeStruct((2 * n, DEGW), jnp.float32),
        mesh=mesh,
        scratch_types=[
            pltpu.VMEM_SHARED((n, DEGW), jnp.float32),
            pltpu.VMEM((nch, K), jnp.int32),
            pltpu.VMEM((K, DEGW), jnp.float32),
            pltpu.SemaphoreType.DMA,
        ],
    )
    def k(dst_hbm, zeros_hbm, ones_hbm, out_hbm, deg_sp, idx_v, ones_v, sem):
        cid = lax.axis_index("c")
        sid = lax.axis_index("s")
        wid = sid * NC + cid
        pltpu.sync_copy(zeros_hbm, deg_sp.at[pl.ds(sid * rows, rows)])
        pltpu.sync_copy(dst_hbm.at[wid], idx_v)
        pltpu.sync_copy(ones_hbm, ones_v)
        plsc.subcore_barrier()

        def fire(t):
            for u in range(G):
                pltpu.async_copy(ones_v, deg_sp.at[idx_v.at[t * G + u]], sem,
                                 add=True)

        def drain(t):
            for u in range(G):
                pltpu.make_async_copy(ones_v, deg_sp.at[idx_v.at[t * G + u]],
                                      sem).wait()

        def body(t, c):
            fire(t)

            @pl.when(t > 0)
            def _():
                drain(t - 1)

            return c

        lax.fori_loop(0, ngrp, body, 0)
        drain(ngrp - 1)
        plsc.subcore_barrier()
        pltpu.sync_copy(deg_sp.at[pl.ds(sid * rows, rows)],
                        out_hbm.at[pl.ds(cid * n + sid * rows, rows)])

    return k


def _sc_agg(n, d, nch, ew):
    mesh = plsc.VectorSubcoreMesh(core_axis_name="c", subcore_axis_name="s")
    rows = n // NS
    T = nch // 2
    assert nch % 2 == 1

    @functools.partial(
        pl.kernel,
        out_type=jax.ShapeDtypeStruct((2 * n, d), jnp.float32),
        mesh=mesh,
        scratch_types=[
            pltpu.VMEM_SHARED((n, d), jnp.float32),
            pltpu.VMEM((ew,), jnp.int32),
            pltpu.VMEM((nch, K), jnp.int32),
            pltpu.VMEM((K, d), jnp.float32),
            pltpu.VMEM((K, d), jnp.float32),
            pltpu.SemaphoreType.DMA,
            pltpu.SemaphoreType.DMA,
            pltpu.SemaphoreType.DMA,
            pltpu.SemaphoreType.DMA,
        ],
    )
    def k(src_hbm, dst_hbm, hn_hbm, zeros_hbm, out_hbm,
          agg_sp, sidx_v, didx_v, buf0, buf1, sa0, sa1, sb0, sb1):
        cid = lax.axis_index("c")
        sid = lax.axis_index("s")
        wid = sid * NC + cid
        pltpu.sync_copy(zeros_hbm, agg_sp.at[pl.ds(sid * rows, rows)])
        pltpu.sync_copy(src_hbm.at[wid], sidx_v)
        pltpu.sync_copy(dst_hbm.at[wid], didx_v)
        plsc.subcore_barrier()

        bufs = (buf0, buf1)
        sa = (sa0, sa1)
        sb = (sb0, sb1)

        def ga(j, b):
            pltpu.async_copy(hn_hbm.at[sidx_v.at[pl.ds(j * K, K)]], bufs[b],
                             sa[b])

        def wa(j, b):
            pltpu.make_async_copy(hn_hbm.at[sidx_v.at[pl.ds(j * K, K)]],
                                  bufs[b], sa[b]).wait()

        def gb(j, b):
            pltpu.async_copy(bufs[b], agg_sp.at[didx_v.at[j]], sb[b], add=True)

        def wb(j, b):
            pltpu.make_async_copy(bufs[b], agg_sp.at[didx_v.at[j]],
                                  sb[b]).wait()

        ga(0, 0)

        def body(t, c):
            j0 = 2 * t
            wa(j0, 0)

            @pl.when(t > 0)
            def _():
                wb(j0 - 1, 1)

            ga(j0 + 1, 1)
            gb(j0, 0)
            wa(j0 + 1, 1)
            wb(j0, 0)
            ga(j0 + 2, 0)
            gb(j0 + 1, 1)
            return c

        lax.fori_loop(0, T, body, 0)
        wb(nch - 2, 1)
        wa(nch - 1, 0)
        gb(nch - 1, 0)
        wb(nch - 1, 0)
        plsc.subcore_barrier()
        pltpu.sync_copy(agg_sp.at[pl.ds(sid * rows, rows)],
                        out_hbm.at[pl.ds(cid * n + sid * rows, rows)])

    return k


def _sc_ey(e, d, nch, ew):
    mesh = plsc.VectorSubcoreMesh(core_axis_name="c", subcore_axis_name="s")
    T = nch // 2
    assert nch % 2 == 1

    @functools.partial(
        pl.kernel,
        out_type=jax.ShapeDtypeStruct((e, d), jnp.float32),
        mesh=mesh,
        scratch_types=[
            pltpu.VMEM((ew,), jnp.int32),
            pltpu.VMEM((ew,), jnp.int32),
            pltpu.VMEM((K, d), jnp.float32),
            pltpu.VMEM((K, d), jnp.float32),
            pltpu.SemaphoreType.DMA,
            pltpu.SemaphoreType.DMA,
            pltpu.SemaphoreType.DMA,
            pltpu.SemaphoreType.DMA,
            pltpu.SemaphoreType.DMA,
            pltpu.SemaphoreType.DMA,
        ],
    )
    def k(src_hbm, dst_hbm, y_hbm, out_hbm, sidx_v, didx_v, buf0, buf1,
          sa0, sa1, sb0, sb1, sc0, sc1):
        cid = lax.axis_index("c")
        sid = lax.axis_index("s")
        wid = sid * NC + cid
        base = wid * ew
        pltpu.sync_copy(src_hbm.at[wid], sidx_v)
        pltpu.sync_copy(dst_hbm.at[wid], didx_v)

        bufs = (buf0, buf1)
        sa = (sa0, sa1)
        sb = (sb0, sb1)
        sc = (sc0, sc1)

        def ga(j, b):
            pltpu.async_copy(y_hbm.at[sidx_v.at[pl.ds(j * K, K)]], bufs[b],
                             sa[b])

        def wa(j, b):
            pltpu.make_async_copy(y_hbm.at[sidx_v.at[pl.ds(j * K, K)]],
                                  bufs[b], sa[b]).wait()

        def gb(j, b):
            pltpu.async_copy(y_hbm.at[didx_v.at[pl.ds(j * K, K)]], bufs[b],
                             sb[b], add=True)

        def wb(j, b):
            pltpu.make_async_copy(y_hbm.at[didx_v.at[pl.ds(j * K, K)]],
                                  bufs[b], sb[b]).wait()

        def gc(j, b):
            pltpu.async_copy(bufs[b], out_hbm.at[pl.ds(base + j * K, K)],
                             sc[b])

        def wc(j, b):
            pltpu.make_async_copy(bufs[b], out_hbm.at[pl.ds(base + j * K, K)],
                                  sc[b]).wait()

        ga(0, 0)

        def body(t, c):
            j0 = 2 * t
            wa(j0, 0)
            gb(j0, 0)

            @pl.when(t > 0)
            def _():
                wc(j0 - 1, 1)

            ga(j0 + 1, 1)
            wb(j0, 0)
            gc(j0, 0)
            wa(j0 + 1, 1)
            gb(j0 + 1, 1)
            wc(j0, 0)
            ga(j0 + 2, 0)
            wb(j0 + 1, 1)
            gc(j0 + 1, 1)
            return c

        lax.fori_loop(0, T, body, 0)
        wc(nch - 2, 1)
        wa(nch - 1, 0)
        gb(nch - 1, 0)
        wb(nch - 1, 0)
        gc(nch - 1, 0)
        wc(nch - 1, 0)

    return k



_DOT = functools.partial(jnp.dot, precision=jax.lax.Precision.DEFAULT)


def _tc_h_body(x_ref, w_ref, h_ref):
    h_ref[...] = _DOT(x_ref[...], w_ref[...])


def _tc_hn_body(h_ref, d0_ref, d1_ref, hn_ref):
    dinv = lax.rsqrt(d0_ref[...] + d1_ref[...] + 1.0)
    hn_ref[...] = h_ref[...] * dinv


def _tc_nodes_body(a0_ref, a1_ref, hn_ref, d0_ref, d1_ref, bg_ref,
                   w1_ref, b1_ref, w2_ref, b2_ref, y_ref):
    dinv = lax.rsqrt(d0_ref[...] + d1_ref[...] + 1.0)
    hn = hn_ref[...]
    g = dinv * (a0_ref[...] + a1_ref[...] + hn) + bg_ref[...]
    t = jnp.maximum(g, 0.0)
    t = jnp.maximum(_DOT(t, w1_ref[...]) + b1_ref[...], 0.0)
    xh = jnp.maximum(_DOT(t, w2_ref[...]) + b2_ref[...], 0.0)
    y_ref[...] = _DOT(xh, w1_ref[...])


def _tc_edges_body(ey_ref, b1_ref, w2_ref, b2_ref, wo_ref, bo_ref, out_ref):
    e1 = jnp.maximum(ey_ref[...] * 0.5 + b1_ref[...], 0.0)
    e2 = jnp.maximum(_DOT(e1, w2_ref[...]) + b2_ref[...], 0.0)
    s = _DOT(e2, wo_ref[...]) + bo_ref[...]
    m = jnp.max(s, axis=1, keepdims=True)
    out_ref[...] = s - (m + jnp.log(jnp.sum(jnp.exp(s - m), axis=1,
                                            keepdims=True)))



def kernel(x, edge_index, W_gcn, b_gcn, W_fc1, b_fc1, W_fc2, b_fc2,
           W_out, b_out):
    n, d = x.shape
    e = edge_index.shape[1]
    ew = e // NW
    nch = ew // K
    np_ = ((n + 127) // 128) * 128

    src2 = edge_index[0].reshape(NW, ew)
    dst2 = edge_index[1].reshape(NW, ew)
    dst3 = edge_index[1].reshape(NW, nch, K)
    x_pad = jnp.pad(x, ((0, np_ - n), (0, 0)))
    rows = np_ // NS
    zeros_deg = jnp.zeros((rows, DEGW), jnp.float32)
    zeros_agg = jnp.zeros((rows, d), jnp.float32)
    ones_k = jnp.ones((K, DEGW), jnp.float32)

    h = pl.pallas_call(
        _tc_h_body,
        out_shape=jax.ShapeDtypeStruct((np_, d), jnp.float32),
    )(x_pad, W_gcn)

    degs = _sc_deg(np_, nch)(dst3, zeros_deg, ones_k)
    d0 = degs[:np_, 0:1]
    d1 = degs[np_:, 0:1]

    hn = pl.pallas_call(
        _tc_hn_body,
        out_shape=jax.ShapeDtypeStruct((np_, d), jnp.float32),
    )(h, d0, d1)

    aggs = _sc_agg(np_, d, nch, ew)(src2, dst3, hn, zeros_agg)

    specs = [
        pl.BlockSpec((np_, d), lambda i: (0, 0)),
        pl.BlockSpec((np_, d), lambda i: (1, 0)),
        pl.BlockSpec((np_, d), lambda i: (0, 0)),
        pl.BlockSpec((np_, 1), lambda i: (0, 0)),
        pl.BlockSpec((np_, 1), lambda i: (0, 0)),
        pl.BlockSpec((1, d), lambda i: (0, 0)),
        pl.BlockSpec((d, d), lambda i: (0, 0)),
        pl.BlockSpec((1, d), lambda i: (0, 0)),
        pl.BlockSpec((d, d), lambda i: (0, 0)),
        pl.BlockSpec((1, d), lambda i: (0, 0)),
    ]
    y = pl.pallas_call(
        _tc_nodes_body,
        out_shape=jax.ShapeDtypeStruct((np_, d), jnp.float32),
        grid=(1,),
        in_specs=specs,
        out_specs=pl.BlockSpec((np_, d), lambda i: (0, 0)),
    )(aggs, aggs, hn, d0, d1, b_gcn.reshape(1, d), W_fc1,
      b_fc1.reshape(1, d), W_fc2, b_fc2.reshape(1, d))

    ey = _sc_ey(e, d, nch, ew)(src2, dst2, y)

    dout = W_out.shape[1]
    blk = 4000
    grid = e // blk
    out = pl.pallas_call(
        _tc_edges_body,
        out_shape=jax.ShapeDtypeStruct((e, dout), jnp.float32),
        grid=(grid,),
        in_specs=[
            pl.BlockSpec((blk, d), lambda i: (i, 0)),
            pl.BlockSpec((1, d), lambda i: (0, 0)),
            pl.BlockSpec((d, d), lambda i: (0, 0)),
            pl.BlockSpec((1, d), lambda i: (0, 0)),
            pl.BlockSpec((d, dout), lambda i: (0, 0)),
            pl.BlockSpec((1, dout), lambda i: (0, 0)),
        ],
        out_specs=pl.BlockSpec((blk, dout), lambda i: (i, 0)),
    )(ey, b_fc1.reshape(1, d), W_fc2, b_fc2.reshape(1, d), W_out,
      b_out.reshape(1, dout))
    return out

# --- scband reference (transcript-rebuilt; emitter-appended) ---
"""Pipeline reference for scband-gcnclassifier-32195074851336 (READ-ONLY COPY).

The authoritative reference and input builder live on the scoring server;
editing this copy changes nothing except your own understanding.
"""

import jax, jax.numpy as jnp
import numpy as np

N_NODES = 10000
N_EDGES = 320000
D_IN = 128
D_HID = 128
D_OUT = 2


def setup_inputs(seed: int = 0) -> dict:
    key = jax.random.key(seed)
    ks = jax.random.split(key, 12)
    x = jax.random.normal(ks[0], (N_NODES, D_IN), dtype=jnp.float32)
    edge_index = jax.random.randint(ks[1], (2, N_EDGES), 0, N_NODES, dtype=jnp.int64 if jax.config.jax_enable_x64 else jnp.int32).astype(jnp.int32)
    s_in = 1.0 / np.sqrt(D_IN)
    s_hid = 1.0 / np.sqrt(D_HID)
    W_gcn = jax.random.uniform(ks[2], (D_IN, D_HID), jnp.float32, -s_in, s_in)
    b_gcn = jnp.zeros((D_HID,), jnp.float32)
    W_fc1 = jax.random.uniform(ks[3], (D_HID, D_HID), jnp.float32, -s_hid, s_hid)
    b_fc1 = jax.random.uniform(ks[4], (D_HID,), jnp.float32, -s_hid, s_hid)
    W_fc2 = jax.random.uniform(ks[5], (D_HID, D_HID), jnp.float32, -s_hid, s_hid)
    b_fc2 = jax.random.uniform(ks[6], (D_HID,), jnp.float32, -s_hid, s_hid)
    W_out = jax.random.uniform(ks[7], (D_HID, D_OUT), jnp.float32, -s_hid, s_hid)
    b_out = jax.random.uniform(ks[8], (D_OUT,), jnp.float32, -s_hid, s_hid)
    return {"x": x, "edge_index": edge_index, "W_gcn": W_gcn, "b_gcn": b_gcn,
            "W_fc1": W_fc1, "b_fc1": b_fc1, "W_fc2": W_fc2, "b_fc2": b_fc2,
            "W_out": W_out, "b_out": b_out}


def reference(x, edge_index, W_gcn, b_gcn, W_fc1, b_fc1, W_fc2, b_fc2, W_out, b_out):
    N = x.shape[0]
    # GCNConv (PyG default): add self-loops, symmetric normalization
    loops = jnp.arange(N, dtype=edge_index.dtype)
    src = jnp.concatenate([edge_index[0], loops])
    dst = jnp.concatenate([edge_index[1], loops])
    h = x @ W_gcn
    deg = jnp.zeros((N,), jnp.float32).at[dst].add(1.0)
    dinv = jnp.where(deg > 0, deg ** -0.5, 0.0)
    norm = dinv[src] * dinv[dst]
    msg = h[src] * norm[:, None]
    out = jnp.zeros((N, h.shape[1]), jnp.float32).at[dst].add(msg) + b_gcn
    # relu + (dropout in eval = identity)
    xh = jax.nn.relu(out)
    xh = jax.nn.relu(xh @ W_fc1 + b_fc1)
    xh = jax.nn.relu(xh @ W_fc2 + b_fc2)
    # edge features: mean of endpoint features (gather)
    edge_x = (xh[edge_index[0]] + xh[edge_index[1]]) / 2.0
    edge_x = jax.nn.relu(edge_x @ W_fc1 + b_fc1)
    edge_x = jax.nn.relu(edge_x @ W_fc2 + b_fc2)
    scores = edge_x @ W_out + b_out
    return jax.nn.log_softmax(scores, axis=1)

if __name__ == "__main__":
    import jax
    _d = setup_inputs()
    print(jax.jit(kernel)(*tuple(_d.values())))

</pallas_src>

<mosaic_0001>
#map = affine_map<(d0, d1) -> (0, 0)>
#map1 = affine_map<(d0, d1) -> (0, 0, 0)>
module attributes {stable_mosaic.version = 14 : i64} {
  func.func @k(%arg0: i32, %arg1: i32, %arg2: memref<32x10000xi32, #tpu.memory_space<hbm>>, %arg3: memref<32x125x80xi32, #tpu.memory_space<hbm>>, %arg4: memref<10112x128xf32, #tpu.memory_space<hbm>>, %arg5: memref<632x128xf32, #tpu.memory_space<hbm>>, %arg6: memref<20224x128xf32, #tpu.memory_space<hbm>>, %arg7: memref<10112x128xf32, #tpu.memory_space<vmem_shared>>, %arg8: memref<10000xi32, #tpu.memory_space<vmem>>, %arg9: memref<125x80xi32, #tpu.memory_space<vmem>>, %arg10: memref<80x128xf32, #tpu.memory_space<vmem>>, %arg11: memref<80x128xf32, #tpu.memory_space<vmem>>, %arg12: memref<!tpu.dma_semaphore, #tpu.memory_space<semaphore_mem>>, %arg13: memref<!tpu.dma_semaphore, #tpu.memory_space<semaphore_mem>>, %arg14: memref<!tpu.dma_semaphore, #tpu.memory_space<semaphore_mem>>, %arg15: memref<!tpu.dma_semaphore, #tpu.memory_space<semaphore_mem>>) attributes {dimension_semantics = [#tpu.dimension_semantics<core_parallel>, #tpu.dimension_semantics<subcore_parallel>], iteration_bounds = array<i64: 2, 16>, scalar_prefetch = 0 : i64, scratch_operands = 9 : i64, tpu.core_type = #tpu.core_type<sc_vector_subcore>, window_params = [{transform_indices = #map}, {transform_indices = #map1}, {transform_indices = #map}, {transform_indices = #map}, {transform_indices = #map}]} {
    %mul3A = arith.constant 2 : i32
    %mul3A_0 = arith.muli %arg1, %mul3A : i32
    %add3A = arith.addi %mul3A_0, %arg0 : i32
    %mul3A_1 = arith.constant 632 : i32
    %mul3A_2 = arith.muli %arg1, %mul3A_1 : i32
    "tpu.region"() ({
      %run_scoped3A = tpu.sem_alloc : memref<!tpu.dma_semaphore, #tpu.memory_space<semaphore_mem>>
      %dma_start3A_45 = arith.constant 0 : i32
      %dma_start3A_46 = tpu.memref_slice %arg7[%mul3A_2, %dma_start3A_45] : memref<10112x128xf32, #tpu.memory_space<vmem_shared>> -> memref<632x128xf32, #tpu.memory_space<vmem_shared>>
      tpu.enqueue_dma source(%arg5 : memref<632x128xf32, #tpu.memory_space<hbm>>) target(%dma_start3A_46 : memref<632x128xf32, #tpu.memory_space<vmem_shared>>) target_semaphore(%run_scoped3A : memref<!tpu.dma_semaphore, #tpu.memory_space<semaphore_mem>>)
      %dma_wait3A_47 = arith.constant 0 : i32
      %dma_wait3A_48 = tpu.memref_slice %arg7[%mul3A_2, %dma_wait3A_47] : memref<10112x128xf32, #tpu.memory_space<vmem_shared>> -> memref<632x128xf32, #tpu.memory_space<vmem_shared>>
      tpu.wait_dma2 semaphore(%run_scoped3A : memref<!tpu.dma_semaphore, #tpu.memory_space<semaphore_mem>>) src(%arg5 : memref<632x128xf32, #tpu.memory_space<hbm>>) dst(%dma_wait3A_48 : memref<632x128xf32, #tpu.memory_space<vmem_shared>>)
      tpu.yield
    }) : () -> ()
    "tpu.region"() ({
      %run_scoped3A = tpu.sem_alloc : memref<!tpu.dma_semaphore, #tpu.memory_space<semaphore_mem>>
      %dma_start3A_45 = arith.constant 0 : i32
      %dma_start3A_46 = tpu.memref_slice %arg2[%add3A, %dma_start3A_45] : memref<32x10000xi32, #tpu.memory_space<hbm>> -> memref<1x10000xi32, #tpu.memory_space<hbm>>
      %dma_start3A_47 = tpu.memref_squeeze %dma_start3A_46 : memref<1x10000xi32, #tpu.memory_space<hbm>> -> memref<10000xi32, #tpu.memory_space<hbm>>
      %dma_start3A_48 = arith.constant 0 : i32
      %dma_start3A_49 = tpu.memref_slice %arg2[%add3A, %dma_start3A_48] : memref<32x10000xi32, #tpu.memory_space<hbm>> -> memref<1x10000xi32, #tpu.memory_space<hbm>>
      %dma_start3A_50 = tpu.memref_squeeze %dma_start3A_49 : memref<1x10000xi32, #tpu.memory_space<hbm>> -> memref<10000xi32, #tpu.memory_space<hbm>>
      tpu.enqueue_dma source(%dma_start3A_50 : memref<10000xi32, #tpu.memory_space<hbm>>) target(%arg8 : memref<10000xi32, #tpu.memory_space<vmem>>) target_semaphore(%run_scoped3A : memref<!tpu.dma_semaphore, #tpu.memory_space<semaphore_mem>>)
      %dma_wait3A_51 = arith.constant 0 : i32
      %dma_wait3A_52 = tpu.memref_slice %arg2[%add3A, %dma_wait3A_51] : memref<32x10000xi32, #tpu.memory_space<hbm>> -> memref<1x10000xi32, #tpu.memory_space<hbm>>
      %dma_wait3A_53 = tpu.memref_squeeze %dma_wait3A_52 : memref<1x10000xi32, #tpu.memory_space<hbm>> -> memref<10000xi32, #tpu.memory_space<hbm>>
      %dma_wait3A_54 = arith.constant 0 : i32
      %dma_wait3A_55 = tpu.memref_slice %arg2[%add3A, %dma_wait3A_54] : memref<32x10000xi32, #tpu.memory_space<hbm>> -> memref<1x10000xi32, #tpu.memory_space<hbm>>
      %dma_wait3A_56 = tpu.memref_squeeze %dma_wait3A_55 : memref<1x10000xi32, #tpu.memory_space<hbm>> -> memref<10000xi32, #tpu.memory_space<hbm>>
      tpu.wait_dma2 semaphore(%run_scoped3A : memref<!tpu.dma_semaphore, #tpu.memory_space<semaphore_mem>>) src(%dma_wait3A_56 : memref<10000xi32, #tpu.memory_space<hbm>>) dst(%arg8 : memref<10000xi32, #tpu.memory_space<vmem>>)
      tpu.yield
    }) : () -> ()
    "tpu.region"() ({
      %run_scoped3A = tpu.sem_alloc : memref<!tpu.dma_semaphore, #tpu.memory_space<semaphore_mem>>
      %dma_start3A_45 = arith.constant 0 : i32
      %dma_start3A_46 = arith.constant 0 : i32
      %dma_start3A_47 = tpu.memref_slice %arg3[%add3A, %dma_start3A_45, %dma_start3A_46] : memref<32x125x80xi32, #tpu.memory_space<hbm>> -> memref<1x125x80xi32, #tpu.memory_space<hbm>>
      %dma_start3A_48 = tpu.memref_squeeze %dma_start3A_47 : memref<1x125x80xi32, #tpu.memory_space<hbm>> -> memref<125x80xi32, #tpu.memory_space<hbm>>
      %dma_start3A_49 = arith.constant 0 : i32
      %dma_start3A_50 = arith.constant 0 : i32
      %dma_start3A_51 = tpu.memref_slice %arg3[%add3A, %dma_start3A_49, %dma_start3A_50] : memref<32x125x80xi32, #tpu.memory_space<hbm>> -> memref<1x125x80xi32, #tpu.memory_space<hbm>>
      %dma_start3A_52 = tpu.memref_squeeze %dma_start3A_51 : memref<1x125x80xi32, #tpu.memory_space<hbm>> -> memref<125x80xi32, #tpu.memory_space<hbm>>
      tpu.enqueue_dma source(%dma_start3A_52 : memref<125x80xi32, #tpu.memory_space<hbm>>) target(%arg9 : memref<125x80xi32, #tpu.memory_space<vmem>>) target_semaphore(%run_scoped3A : memref<!tpu.dma_semaphore, #tpu.memory_space<semaphore_mem>>)
      %dma_wait3A_53 = arith.constant 0 : i32
      %dma_wait3A_54 = arith.constant 0 : i32
      %dma_wait3A_55 = tpu.memref_slice %arg3[%add3A, %dma_wait3A_53, %dma_wait3A_54] : memref<32x125x80xi32, #tpu.memory_space<hbm>> -> memref<1x125x80xi32, #tpu.memory_space<hbm>>
      %dma_wait3A_56 = tpu.memref_squeeze %dma_wait3A_55 : memref<1x125x80xi32, #tpu.memory_space<hbm>> -> memref<125x80xi32, #tpu.memory_space<hbm>>
      %dma_wait3A_57 = arith.constant 0 : i32
      %dma_wait3A_58 = arith.constant 0 : i32
      %dma_wait3A_59 = tpu.memref_slice %arg3[%add3A, %dma_wait3A_57, %dma_wait3A_58] : memref<32x125x80xi32, #tpu.memory_space<hbm>> -> memref<1x125x80xi32, #tpu.memory_space<hbm>>
      %dma_wait3A_60 = tpu.memref_squeeze %dma_wait3A_59 : memref<1x125x80xi32, #tpu.memory_space<hbm>> -> memref<125x80xi32, #tpu.memory_space<hbm>>
      tpu.wait_dma2 semaphore(%run_scoped3A : memref<!tpu.dma_semaphore, #tpu.memory_space<semaphore_mem>>) src(%dma_wait3A_60 : memref<125x80xi32, #tpu.memory_space<hbm>>) dst(%arg9 : memref<125x80xi32, #tpu.memory_space<vmem>>)
      tpu.yield
    }) : () -> ()
    %barrier3A = arith.constant 0 : index
    tpu.barrier barrier_id(%barrier3A)
    %dma_start3A = arith.constant 0 : i32
    %dma_start3A_3 = tpu.memref_slice %arg8[%dma_start3A] : memref<10000xi32, #tpu.memory_space<vmem>> -> memref<80xi32, #tpu.memory_space<vmem>>
    %dma_start3A_4 = arith.constant 0 : i32
    %dma_start3A_5 = arith.constant 0 : i32
    %dma_start3A_6 = tpu.memref_slice %arg4[%dma_start3A_4, %dma_start3A_5] : memref<10112x128xf32, #tpu.memory_space<hbm>> -> memref<10112x128xf32, #tpu.memory_space<hbm>>
    tpu.enqueue_indirect_dma source(%dma_start3A_6 : memref<10112x128xf32, #tpu.memory_space<hbm>>) target(%arg10 : memref<80x128xf32, #tpu.memory_space<vmem>>) offsets(%dma_start3A_3 : memref<80xi32, #tpu.memory_space<vmem>>) semaphore(%arg12 : memref<!tpu.dma_semaphore, #tpu.memory_space<semaphore_mem>>)
    %scan3A = arith.constant 0 : i32
    %scan3A_7 = arith.constant 0 : i32
    %scan3A_8 = arith.constant 62 : i32
    %scan3A_9 = arith.addi %scan3A_7, %scan3A_8 : i32
    %scan3A_10 = arith.constant 1 : i32
    scf.for %scan3A_45 = %scan3A_7 to %scan3A_9 step %scan3A_10  : i32 {
      %mul3A_46 = arith.constant 2 : i32
      %mul3A_47 = arith.muli %mul3A_46, %scan3A_45 : i32
      %mul3A_48 = arith.constant 80 : i32
      %mul3A_49 = arith.muli %mul3A_47, %mul3A_48 : i32
      %dma_wait3A_50 = tpu.memref_slice %arg8[%mul3A_49] : memref<10000xi32, #tpu.memory_space<vmem>> -> memref<80xi32, #tpu.memory_space<vmem>>
      %dma_wait3A_51 = arith.constant 0 : i32
      %dma_wait3A_52 = arith.constant 0 : i32
      %dma_wait3A_53 = tpu.memref_slice %arg4[%dma_wait3A_51, %dma_wait3A_52] : memref<10112x128xf32, #tpu.memory_space<hbm>> -> memref<10112x128xf32, #tpu.memory_space<hbm>>
      tpu.wait_indirect_dma semaphore(%arg12 : memref<!tpu.dma_semaphore, #tpu.memory_space<semaphore_mem>>) src(%dma_wait3A_53 : memref<10112x128xf32, #tpu.memory_space<hbm>>) dst(%arg10 : memref<80x128xf32, #tpu.memory_space<vmem>>)
      %gt3A = arith.constant 0 : i32
      %gt3A_54 = arith.cmpi sgt, %scan3A_45, %gt3A : i32
      %convert_element_type3A = arith.extui %gt3A_54 : i1 to i32
      %cond3A = arith.constant 0 : i32
      %cond3A_55 = arith.cmpi ne, %convert_element_type3A, %cond3A : i32
      scf.if %cond3A_55 {
        %sub3A = arith.constant 1 : i32
        %sub3A_100 = arith.subi %mul3A_47, %sub3A : i32
        %dma_wait3A_101 = arith.constant 0 : i32
        %dma_wait3A_102 = tpu.memref_slice %arg9[%sub3A_100, %dma_wait3A_101] : memref<125x80xi32, #tpu.memory_space<vmem>> -> memref<1x80xi32, #tpu.memory_space<vmem>>
        %dma_wait3A_103 = tpu.memref_squeeze %dma_wait3A_102 : memref<1x80xi32, #tpu.memory_space<vmem>> -> memref<80xi32, #tpu.memory_space<vmem>>
        %dma_wait3A_104 = arith.constant 0 : i32
        %dma_wait3A_105 = arith.constant 0 : i32
        %dma_wait3A_106 = tpu.memref_slice %arg7[%dma_wait3A_104, %dma_wait3A_105] : memref<10112x128xf32, #tpu.memory_space<vmem_shared>> -> memref<10112x128xf32, #tpu.memory_space<vmem_shared>>
        tpu.wait_indirect_dma semaphore(%arg15 : memref<!tpu.dma_semaphore, #tpu.memory_space<semaphore_mem>>) src(%arg11 : memref<80x128xf32, #tpu.memory_space<vmem>>) dst(%dma_wait3A_106 : memref<10112x128xf32, #tpu.memory_space<vmem_shared>>)
      } else {
      }
      %add3A_56 = arith.constant 1 : i32
      %add3A_57 = arith.addi %mul3A_47, %add3A_56 : i32
      %mul3A_58 = arith.constant 80 : i32
      %mul3A_59 = arith.muli %add3A_57, %mul3A_58 : i32
      %dma_start3A_60 = tpu.memref_slice %arg8[%mul3A_59] : memref<10000xi32, #tpu.memory_space<vmem>> -> memref<80xi32, #tpu.memory_space<vmem>>
      %dma_start3A_61 = arith.constant 0 : i32
      %dma_start3A_62 = arith.constant 0 : i32
      %dma_start3A_63 = tpu.memref_slice %arg4[%dma_start3A_61, %dma_start3A_62] : memref<10112x128xf32, #tpu.memory_space<hbm>> -> memref<10112x128xf32, #tpu.memory_space<hbm>>
      tpu.enqueue_indirect_dma source(%dma_start3A_63 : memref<10112x128xf32, #tpu.memory_space<hbm>>) target(%arg11 : memref<80x128xf32, #tpu.memory_space<vmem>>) offsets(%dma_start3A_60 : memref<80xi32, #tpu.memory_space<vmem>>) semaphore(%arg13 : memref<!tpu.dma_semaphore, #tpu.memory_space<semaphore_mem>>)
      %dma_start3A_64 = arith.constant 0 : i32
      %dma_start3A_65 = tpu.memref_slice %arg9[%mul3A_47, %dma_start3A_64] : memref<125x80xi32, #tpu.memory_space<vmem>> -> memref<1x80xi32, #tpu.memory_space<vmem>>
      %dma_start3A_66 = tpu.memref_squeeze %dma_start3A_65 : memref<1x80xi32, #tpu.memory_space<vmem>> -> memref<80xi32, #tpu.memory_space<vmem>>
      %dma_start3A_67 = arith.constant 0 : i32
      %dma_start3A_68 = arith.constant 0 : i32
      %dma_start3A_69 = tpu.memref_slice %arg7[%dma_start3A_67, %dma_start3A_68] : memref<10112x128xf32, #tpu.memory_space<vmem_shared>> -> memref<10112x128xf32, #tpu.memory_space<vmem_shared>>
      tpu.enqueue_indirect_dma source(%arg10 : memref<80x128xf32, #tpu.memory_space<vmem>>) target(%dma_start3A_69 : memref<10112x128xf32, #tpu.memory_space<vmem_shared>>) offsets(%dma_start3A_66 : memref<80xi32, #tpu.memory_space<vmem>>) semaphore(%arg14 : memref<!tpu.dma_semaphore, #tpu.memory_space<semaphore_mem>>) {add = true}
      %add3A_70 = arith.constant 1 : i32
      %add3A_71 = arith.addi %mul3A_47, %add3A_70 : i32
      %mul3A_72 = arith.constant 80 : i32
      %mul3A_73 = arith.muli %add3A_71, %mul3A_72 : i32
      %dma_wait3A_74 = tpu.memref_slice %arg8[%mul3A_73] : memref<10000xi32, #tpu.memory_space<vmem>> -> memref<80xi32, #tpu.memory_space<vmem>>
      %dma_wait3A_75 = arith.constant 0 : i32
      %dma_wait3A_76 = arith.constant 0 : i32
      %dma_wait3A_77 = tpu.memref_slice %arg4[%dma_wait3A_75, %dma_wait3A_76] : memref<10112x128xf32, #tpu.memory_space<hbm>> -> memref<10112x128xf32, #tpu.memory_space<hbm>>
      tpu.wait_indirect_dma semaphore(%arg13 : memref<!tpu.dma_semaphore, #tpu.memory_space<semaphore_mem>>) src(%dma_wait3A_77 : memref<10112x128xf32, #tpu.memory_space<hbm>>) dst(%arg11 : memref<80x128xf32, #tpu.memory_space<vmem>>)
      %dma_wait3A_78 = arith.constant 0 : i32
      %dma_wait3A_79 = tpu.memref_slice %arg9[%mul3A_47, %dma_wait3A_78] : memref<125x80xi32, #tpu.memory_space<vmem>> -> memref<1x80xi32, #tpu.memory_space<vmem>>
      %dma_wait3A_80 = tpu.memref_squeeze %dma_wait3A_79 : memref<1x80xi32, #tpu.memory_space<vmem>> -> memref<80xi32, #tpu.memory_space<vmem>>
      %dma_wait3A_81 = arith.constant 0 : i32
      %dma_wait3A_82 = arith.constant 0 : i32
      %dma_wait3A_83 = tpu.memref_slice %arg7[%dma_wait3A_81, %dma_wait3A_82] : memref<10112x128xf32, #tpu.memory_space<vmem_shared>> -> memref<10112x128xf32, #tpu.memory_space<vmem_shared>>
      tpu.wait_indirect_dma semaphore(%arg14 : memref<!tpu.dma_semaphore, #tpu.memory_space<semaphore_mem>>) src(%arg10 : memref<80x128xf32, #tpu.memory_space<vmem>>) dst(%dma_wait3A_83 : memref<10112x128xf32, #tpu.memory_space<vmem_shared>>)
      %add3A_84 = arith.constant 2 : i32
      %add3A_85 = arith.addi %mul3A_47, %add3A_84 : i32
      %mul3A_86 = arith.constant 80 : i32
      %mul3A_87 = arith.muli %add3A_85, %mul3A_86 : i32
      %dma_start3A_88 = tpu.memref_slice %arg8[%mul3A_87] : memref<10000xi32, #tpu.memory_space<vmem>> -> memref<80xi32, #tpu.memory_space<vmem>>
      %dma_start3A_89 = arith.constant 0 : i32
      %dma_start3A_90 = arith.constant 0 : i32
      %dma_start3A_91 = tpu.memref_slice %arg4[%dma_start3A_89, %dma_start3A_90] : memref<10112x128xf32, #tpu.memory_space<hbm>> -> memref<10112x128xf32, #tpu.memory_space<hbm>>
      tpu.enqueue_indirect_dma source(%dma_start3A_91 : memref<10112x128xf32, #tpu.memory_space<hbm>>) target(%arg10 : memref<80x128xf32, #tpu.memory_space<vmem>>) offsets(%dma_start3A_88 : memref<80xi32, #tpu.memory_space<vmem>>) semaphore(%arg12 : memref<!tpu.dma_semaphore, #tpu.memory_space<semaphore_mem>>)
      %add3A_92 = arith.constant 1 : i32
      %add3A_93 = arith.addi %mul3A_47, %add3A_92 : i32
      %dma_start3A_94 = arith.constant 0 : i32
      %dma_start3A_95 = tpu.memref_slice %arg9[%add3A_93, %dma_start3A_94] : memref<125x80xi32, #tpu.memory_space<vmem>> -> memref<1x80xi32, #tpu.memory_space<vmem>>
      %dma_start3A_96 = tpu.memref_squeeze %dma_start3A_95 : memref<1x80xi32, #tpu.memory_space<vmem>> -> memref<80xi32, #tpu.memory_space<vmem>>
      %dma_start3A_97 = arith.constant 0 : i32
      %dma_start3A_98 = arith.constant 0 : i32
      %dma_start3A_99 = tpu.memref_slice %arg7[%dma_start3A_97, %dma_start3A_98] : memref<10112x128xf32, #tpu.memory_space<vmem_shared>> -> memref<10112x128xf32, #tpu.memory_space<vmem_shared>>
      tpu.enqueue_indirect_dma source(%arg11 : memref<80x128xf32, #tpu.memory_space<vmem>>) target(%dma_start3A_99 : memref<10112x128xf32, #tpu.memory_space<vmem_shared>>) offsets(%dma_start3A_96 : memref<80xi32, #tpu.memory_space<vmem>>) semaphore(%arg15 : memref<!tpu.dma_semaphore, #tpu.memory_space<semaphore_mem>>) {add = true}
    }
    %scan3A_11 = arith.constant 62 : i32
    %dma_wait3A = arith.constant 123 : i32
    %dma_wait3A_12 = arith.constant 0 : i32
    %dma_wait3A_13 = tpu.memref_slice %arg9[%dma_wait3A, %dma_wait3A_12] : memref<125x80xi32, #tpu.memory_space<vmem>> -> memref<1x80xi32, #tpu.memory_space<vmem>>
    %dma_wait3A_14 = tpu.memref_squeeze %dma_wait3A_13 : memref<1x80xi32, #tpu.memory_space<vmem>> -> memref<80xi32, #tpu.memory_space<vmem>>
    %dma_wait3A_15 = arith.constant 0 : i32
    %dma_wait3A_16 = arith.constant 0 : i32
    %dma_wait3A_17 = tpu.memref_slice %arg7[%dma_wait3A_15, %dma_wait3A_16] : memref<10112x128xf32, #tpu.memory_space<vmem_shared>> -> memref<10112x128xf32, #tpu.memory_space<vmem_shared>>
    tpu.wait_indirect_dma semaphore(%arg15 : memref<!tpu.dma_semaphore, #tpu.memory_space<semaphore_mem>>) src(%arg11 : memref<80x128xf32, #tpu.memory_space<vmem>>) dst(%dma_wait3A_17 : memref<10112x128xf32, #tpu.memory_space<vmem_shared>>)
    %dma_wait3A_18 = arith.constant 9920 : i32
    %dma_wait3A_19 = tpu.memref_slice %arg8[%dma_wait3A_18] : memref<10000xi32, #tpu.memory_space<vmem>> -> memref<80xi32, #tpu.memory_space<vmem>>
    %dma_wait3A_20 = arith.constant 0 : i32
    %dma_wait3A_21 = arith.constant 0 : i32
    %dma_wait3A_22 = tpu.memref_slice %arg4[%dma_wait3A_20, %dma_wait3A_21] : memref<10112x128xf32, #tpu.memory_space<hbm>> -> memref<10112x128xf32, #tpu.memory_space<hbm>>
    tpu.wait_indirect_dma semaphore(%arg12 : memref<!tpu.dma_semaphore, #tpu.memory_space<semaphore_mem>>) src(%dma_wait3A_22 : memref<10112x128xf32, #tpu.memory_space<hbm>>) dst(%arg10 : memref<80x128xf32, #tpu.memory_space<vmem>>)
    %dma_start3A_23 = arith.constant 124 : i32
    %dma_start3A_24 = arith.constant 0 : i32
    %dma_start3A_25 = tpu.memref_slice %arg9[%dma_start3A_23, %dma_start3A_24] : memref<125x80xi32, #tpu.memory_space<vmem>> -> memref<1x80xi32, #tpu.memory_space<vmem>>
    %dma_start3A_26 = tpu.memref_squeeze %dma_start3A_25 : memref<1x80xi32, #tpu.memory_space<vmem>> -> memref<80xi32, #tpu.memory_space<vmem>>
    %dma_start3A_27 = arith.constant 0 : i32
    %dma_start3A_28 = arith.constant 0 : i32
    %dma_start3A_29 = tpu.memref_slice %arg7[%dma_start3A_27, %dma_start3A_28] : memref<10112x128xf32, #tpu.memory_space<vmem_shared>> -> memref<10112x128xf32, #tpu.memory_space<vmem_shared>>
    tpu.enqueue_indirect_dma source(%arg10 : memref<80x128xf32, #tpu.memory_space<vmem>>) target(%dma_start3A_29 : memref<10112x128xf32, #tpu.memory_space<vmem_shared>>) offsets(%dma_start3A_26 : memref<80xi32, #tpu.memory_space<vmem>>) semaphore(%arg14 : memref<!tpu.dma_semaphore, #tpu.memory_space<semaphore_mem>>) {add = true}
    %dma_wait3A_30 = arith.constant 124 : i32
    %dma_wait3A_31 = arith.constant 0 : i32
    %dma_wait3A_32 = tpu.memref_slice %arg9[%dma_wait3A_30, %dma_wait3A_31] : memref<125x80xi32, #tpu.memory_space<vmem>> -> memref<1x80xi32, #tpu.memory_space<vmem>>
    %dma_wait3A_33 = tpu.memref_squeeze %dma_wait3A_32 : memref<1x80xi32, #tpu.memory_space<vmem>> -> memref<80xi32, #tpu.memory_space<vmem>>
    %dma_wait3A_34 = arith.constant 0 : i32
    %dma_wait3A_35 = arith.constant 0 : i32
    %dma_wait3A_36 = tpu.memref_slice %arg7[%dma_wait3A_34, %dma_wait3A_35] : memref<10112x128xf32, #tpu.memory_space<vmem_shared>> -> memref<10112x128xf32, #tpu.memory_space<vmem_shared>>
    tpu.wait_indirect_dma semaphore(%arg14 : memref<!tpu.dma_semaphore, #tpu.memory_space<semaphore_mem>>) src(%arg10 : memref<80x128xf32, #tpu.memory_space<vmem>>) dst(%dma_wait3A_36 : memref<10112x128xf32, #tpu.memory_space<vmem_shared>>)
    %barrier3A_37 = arith.constant 0 : index
    tpu.barrier barrier_id(%barrier3A_37)
    %mul3A_38 = arith.constant 632 : i32
    %mul3A_39 = arith.muli %arg1, %mul3A_38 : i32
    %mul3A_40 = arith.constant 10112 : i32
    %mul3A_41 = arith.muli %arg0, %mul3A_40 : i32
    %mul3A_42 = arith.constant 632 : i32
    %mul3A_43 = arith.muli %arg1, %mul3A_42 : i32
    %add3A_44 = arith.addi %mul3A_41, %mul3A_43 : i32
    "tpu.region"() ({
      %run_scoped3A = tpu.sem_alloc : memref<!tpu.dma_semaphore, #tpu.memory_space<semaphore_mem>>
      %dma_start3A_45 = arith.constant 0 : i32
      %dma_start3A_46 = tpu.memref_slice %arg6[%add3A_44, %dma_start3A_45] : memref<20224x128xf32, #tpu.memory_space<hbm>> -> memref<632x128xf32, #tpu.memory_space<hbm>>
      %dma_start3A_47 = arith.constant 0 : i32
      %dma_start3A_48 = tpu.memref_slice %arg7[%mul3A_39, %dma_start3A_47] : memref<10112x128xf32, #tpu.memory_space<vmem_shared>> -> memref<632x128xf32, #tpu.memory_space<vmem_shared>>
      tpu.enqueue_dma source(%dma_start3A_48 : memref<632x128xf32, #tpu.memory_space<vmem_shared>>) target(%dma_start3A_46 : memref<632x128xf32, #tpu.memory_space<hbm>>) target_semaphore(%run_scoped3A : memref<!tpu.dma_semaphore, #tpu.memory_space<semaphore_mem>>)
      %dma_wait3A_49 = arith.constant 0 : i32
      %dma_wait3A_50 = tpu.memref_slice %arg6[%add3A_44, %dma_wait3A_49] : memref<20224x128xf32, #tpu.memory_space<hbm>> -> memref<632x128xf32, #tpu.memory_space<hbm>>
      %dma_wait3A_51 = arith.constant 0 : i32
      %dma_wait3A_52 = tpu.memref_slice %arg7[%mul3A_39, %dma_wait3A_51] : memref<10112x128xf32, #tpu.memory_space<vmem_shared>> -> memref<632x128xf32, #tpu.memory_space<vmem_shared>>
      tpu.wait_dma2 semaphore(%run_scoped3A : memref<!tpu.dma_semaphore, #tpu.memory_space<semaphore_mem>>) src(%dma_wait3A_52 : memref<632x128xf32, #tpu.memory_space<vmem_shared>>) dst(%dma_wait3A_50 : memref<632x128xf32, #tpu.memory_space<hbm>>)
      tpu.yield
    }) : () -> ()
    return
  }
}

#map = affine_map<(d0, d1) -> (0, 0)>
module attributes {stable_mosaic.version = 14 : i64} {
  func.func @k(%arg0: i32, %arg1: i32, %arg2: memref<32x10000xi32, #tpu.memory_space<hbm>>, %arg3: memref<32x10000xi32, #tpu.memory_space<hbm>>, %arg4: memref<10112x128xf32, #tpu.memory_space<hbm>>, %arg5: memref<320000x128xf32, #tpu.memory_space<hbm>>, %arg6: memref<10000xi32, #tpu.memory_space<vmem>>, %arg7: memref<10000xi32, #tpu.memory_space<vmem>>, %arg8: memref<80x128xf32, #tpu.memory_space<vmem>>, %arg9: memref<80x128xf32, #tpu.memory_space<vmem>>, %arg10: memref<!tpu.dma_semaphore, #tpu.memory_space<semaphore_mem>>, %arg11: memref<!tpu.dma_semaphore, #tpu.memory_space<semaphore_mem>>, %arg12: memref<!tpu.dma_semaphore, #tpu.memory_space<semaphore_mem>>, %arg13: memref<!tpu.dma_semaphore, #tpu.memory_space<semaphore_mem>>, %arg14: memref<!tpu.dma_semaphore, #tpu.memory_space<semaphore_mem>>, %arg15: memref<!tpu.dma_semaphore, #tpu.memory_space<semaphore_mem>>) attributes {dimension_semantics = [#tpu.dimension_semantics<core_parallel>, #tpu.dimension_semantics<subcore_parallel>], iteration_bounds = array<i64: 2, 16>, scalar_prefetch = 0 : i64, scratch_operands = 10 : i64, tpu.core_type = #tpu.core_type<sc_vector_subcore>, window_params = [{transform_indices = #map}, {transform_indices = #map}, {transform_indices = #map}, {transform_indices = #map}]} {
    %mul3A = arith.constant 2 : i32
    %mul3A_0 = arith.muli %arg1, %mul3A : i32
    %add3A = arith.addi %mul3A_0, %arg0 : i32
    %mul3A_1 = arith.constant 10000 : i32
    %mul3A_2 = arith.muli %add3A, %mul3A_1 : i32
    "tpu.region"() ({
      %run_scoped3A = tpu.sem_alloc : memref<!tpu.dma_semaphore, #tpu.memory_space<semaphore_mem>>
      %dma_start3A_44 = arith.constant 0 : i32
      %dma_start3A_45 = tpu.memref_slice %arg2[%add3A, %dma_start3A_44] : memref<32x10000xi32, #tpu.memory_space<hbm>> -> memref<1x10000xi32, #tpu.memory_space<hbm>>
      %dma_start3A_46 = tpu.memref_squeeze %dma_start3A_45 : memref<1x10000xi32, #tpu.memory_space<hbm>> -> memref<10000xi32, #tpu.memory_space<hbm>>
      %dma_start3A_47 = arith.constant 0 : i32
      %dma_start3A_48 = tpu.memref_slice %arg2[%add3A, %dma_start3A_47] : memref<32x10000xi32, #tpu.memory_space<hbm>> -> memref<1x10000xi32, #tpu.memory_space<hbm>>
      %dma_start3A_49 = tpu.memref_squeeze %dma_start3A_48 : memref<1x10000xi32, #tpu.memory_space<hbm>> -> memref<10000xi32, #tpu.memory_space<hbm>>
      tpu.enqueue_dma source(%dma_start3A_49 : memref<10000xi32, #tpu.memory_space<hbm>>) target(%arg6 : memref<10000xi32, #tpu.memory_space<vmem>>) target_semaphore(%run_scoped3A : memref<!tpu.dma_semaphore, #tpu.memory_space<semaphore_mem>>)
      %dma_wait3A_50 = arith.constant 0 : i32
      %dma_wait3A_51 = tpu.memref_slice %arg2[%add3A, %dma_wait3A_50] : memref<32x10000xi32, #tpu.memory_space<hbm>> -> memref<1x10000xi32, #tpu.memory_space<hbm>>
      %dma_wait3A_52 = tpu.memref_squeeze %dma_wait3A_51 : memref<1x10000xi32, #tpu.memory_space<hbm>> -> memref<10000xi32, #tpu.memory_space<hbm>>
      %dma_wait3A_53 = arith.constant 0 : i32
      %dma_wait3A_54 = tpu.memref_slice %arg2[%add3A, %dma_wait3A_53] : memref<32x10000xi32, #tpu.memory_space<hbm>> -> memref<1x10000xi32, #tpu.memory_space<hbm>>
      %dma_wait3A_55 = tpu.memref_squeeze %dma_wait3A_54 : memref<1x10000xi32, #tpu.memory_space<hbm>> -> memref<10000xi32, #tpu.memory_space<hbm>>
      tpu.wait_dma2 semaphore(%run_scoped3A : memref<!tpu.dma_semaphore, #tpu.memory_space<semaphore_mem>>) src(%dma_wait3A_55 : memref<10000xi32, #tpu.memory_space<hbm>>) dst(%arg6 : memref<10000xi32, #tpu.memory_space<vmem>>)
      tpu.yield
    }) : () -> ()
    "tpu.region"() ({
      %run_scoped3A = tpu.sem_alloc : memref<!tpu.dma_semaphore, #tpu.memory_space<semaphore_mem>>
      %dma_start3A_44 = arith.constant 0 : i32
      %dma_start3A_45 = tpu.memref_slice %arg3[%add3A, %dma_start3A_44] : memref<32x10000xi32, #tpu.memory_space<hbm>> -> memref<1x10000xi32, #tpu.memory_space<hbm>>
      %dma_start3A_46 = tpu.memref_squeeze %dma_start3A_45 : memref<1x10000xi32, #tpu.memory_space<hbm>> -> memref<10000xi32, #tpu.memory_space<hbm>>
      %dma_start3A_47 = arith.constant 0 : i32
      %dma_start3A_48 = tpu.memref_slice %arg3[%add3A, %dma_start3A_47] : memref<32x10000xi32, #tpu.memory_space<hbm>> -> memref<1x10000xi32, #tpu.memory_space<hbm>>
      %dma_start3A_49 = tpu.memref_squeeze %dma_start3A_48 : memref<1x10000xi32, #tpu.memory_space<hbm>> -> memref<10000xi32, #tpu.memory_space<hbm>>
      tpu.enqueue_dma source(%dma_start3A_49 : memref<10000xi32, #tpu.memory_space<hbm>>) target(%arg7 : memref<10000xi32, #tpu.memory_space<vmem>>) target_semaphore(%run_scoped3A : memref<!tpu.dma_semaphore, #tpu.memory_space<semaphore_mem>>)
      %dma_wait3A_50 = arith.constant 0 : i32
      %dma_wait3A_51 = tpu.memref_slice %arg3[%add3A, %dma_wait3A_50] : memref<32x10000xi32, #tpu.memory_space<hbm>> -> memref<1x10000xi32, #tpu.memory_space<hbm>>
      %dma_wait3A_52 = tpu.memref_squeeze %dma_wait3A_51 : memref<1x10000xi32, #tpu.memory_space<hbm>> -> memref<10000xi32, #tpu.memory_space<hbm>>
      %dma_wait3A_53 = arith.constant 0 : i32
      %dma_wait3A_54 = tpu.memref_slice %arg3[%add3A, %dma_wait3A_53] : memref<32x10000xi32, #tpu.memory_space<hbm>> -> memref<1x10000xi32, #tpu.memory_space<hbm>>
      %dma_wait3A_55 = tpu.memref_squeeze %dma_wait3A_54 : memref<1x10000xi32, #tpu.memory_space<hbm>> -> memref<10000xi32, #tpu.memory_space<hbm>>
      tpu.wait_dma2 semaphore(%run_scoped3A : memref<!tpu.dma_semaphore, #tpu.memory_space<semaphore_mem>>) src(%dma_wait3A_55 : memref<10000xi32, #tpu.memory_space<hbm>>) dst(%arg7 : memref<10000xi32, #tpu.memory_space<vmem>>)
      tpu.yield
    }) : () -> ()
    %dma_start3A = arith.constant 0 : i32
    %dma_start3A_3 = tpu.memref_slice %arg6[%dma_start3A] : memref<10000xi32, #tpu.memory_space<vmem>> -> memref<80xi32, #tpu.memory_space<vmem>>
    %dma_start3A_4 = arith.constant 0 : i32
    %dma_start3A_5 = arith.constant 0 : i32
    %dma_start3A_6 = tpu.memref_slice %arg4[%dma_start3A_4, %dma_start3A_5] : memref<10112x128xf32, #tpu.memory_space<hbm>> -> memref<10112x128xf32, #tpu.memory_space<hbm>>
    tpu.enqueue_indirect_dma source(%dma_start3A_6 : memref<10112x128xf32, #tpu.memory_space<hbm>>) target(%arg8 : memref<80x128xf32, #tpu.memory_space<vmem>>) offsets(%dma_start3A_3 : memref<80xi32, #tpu.memory_space<vmem>>) semaphore(%arg10 : memref<!tpu.dma_semaphore, #tpu.memory_space<semaphore_mem>>)
    %scan3A = arith.constant 0 : i32
    %scan3A_7 = arith.constant 0 : i32
    %scan3A_8 = arith.constant 62 : i32
    %scan3A_9 = arith.addi %scan3A_7, %scan3A_8 : i32
    %scan3A_10 = arith.constant 1 : i32
    scf.for %scan3A_44 = %scan3A_7 to %scan3A_9 step %scan3A_10  : i32 {
      %mul3A_45 = arith.constant 2 : i32
      %mul3A_46 = arith.muli %mul3A_45, %scan3A_44 : i32
      %mul3A_47 = arith.constant 80 : i32
      %mul3A_48 = arith.muli %mul3A_46, %mul3A_47 : i32
      %dma_wait3A_49 = tpu.memref_slice %arg6[%mul3A_48] : memref<10000xi32, #tpu.memory_space<vmem>> -> memref<80xi32, #tpu.memory_space<vmem>>
      %dma_wait3A_50 = arith.constant 0 : i32
      %dma_wait3A_51 = arith.constant 0 : i32
      %dma_wait3A_52 = tpu.memref_slice %arg4[%dma_wait3A_50, %dma_wait3A_51] : memref<10112x128xf32, #tpu.memory_space<hbm>> -> memref<10112x128xf32, #tpu.memory_space<hbm>>
      tpu.wait_indirect_dma semaphore(%arg10 : memref<!tpu.dma_semaphore, #tpu.memory_space<semaphore_mem>>) src(%dma_wait3A_52 : memref<10112x128xf32, #tpu.memory_space<hbm>>) dst(%arg8 : memref<80x128xf32, #tpu.memory_space<vmem>>)
      %mul3A_53 = arith.constant 80 : i32
      %mul3A_54 = arith.muli %mul3A_46, %mul3A_53 : i32
      %dma_start3A_55 = tpu.memref_slice %arg7[%mul3A_54] : memref<10000xi32, #tpu.memory_space<vmem>> -> memref<80xi32, #tpu.memory_space<vmem>>
      %dma_start3A_56 = arith.constant 0 : i32
      %dma_start3A_57 = arith.constant 0 : i32
      %dma_start3A_58 = tpu.memref_slice %arg4[%dma_start3A_56, %dma_start3A_57] : memref<10112x128xf32, #tpu.memory_space<hbm>> -> memref<10112x128xf32, #tpu.memory_space<hbm>>
      tpu.enqueue_indirect_dma source(%dma_start3A_58 : memref<10112x128xf32, #tpu.memory_space<hbm>>) target(%arg8 : memref<80x128xf32, #tpu.memory_space<vmem>>) offsets(%dma_start3A_55 : memref<80xi32, #tpu.memory_space<vmem>>) semaphore(%arg12 : memref<!tpu.dma_semaphore, #tpu.memory_space<semaphore_mem>>) {add = true}
      %gt3A = arith.constant 0 : i32
      %gt3A_59 = arith.cmpi sgt, %scan3A_44, %gt3A : i32
      %convert_element_type3A = arith.extui %gt3A_59 : i1 to i32
      %cond3A = arith.constant 0 : i32
      %cond3A_60 = arith.cmpi ne, %convert_element_type3A, %cond3A : i32
      scf.if %cond3A_60 {
        %sub3A = arith.constant 1 : i32
        %sub3A_130 = arith.subi %mul3A_46, %sub3A : i32
        %mul3A_131 = arith.constant 80 : i32
        %mul3A_132 = arith.muli %sub3A_130, %mul3A_131 : i32
        %add3A_133 = arith.addi %mul3A_2, %mul3A_132 : i32
        %dma_wait3A_134 = arith.constant 0 : i32
        %dma_wait3A_135 = tpu.memref_slice %arg5[%add3A_133, %dma_wait3A_134] : memref<320000x128xf32, #tpu.memory_space<hbm>> -> memref<80x128xf32, #tpu.memory_space<hbm>>
        %dma_wait3A_136 = arith.constant 0 : i32
        %dma_wait3A_137 = tpu.memref_slice %arg5[%add3A_133, %dma_wait3A_136] : memref<320000x128xf32, #tpu.memory_space<hbm>> -> memref<80x128xf32, #tpu.memory_space<hbm>>
        tpu.wait_dma2 semaphore(%arg15 : memref<!tpu.dma_semaphore, #tpu.memory_space<semaphore_mem>>) src(%arg9 : memref<80x128xf32, #tpu.memory_space<vmem>>) dst(%dma_wait3A_137 : memref<80x128xf32, #tpu.memory_space<hbm>>)
      } else {
      }
      %add3A_61 = arith.constant 1 : i32
      %add3A_62 = arith.addi %mul3A_46, %add3A_61 : i32
      %mul3A_63 = arith.constant 80 : i32
      %mul3A_64 = arith.muli %add3A_62, %mul3A_63 : i32
      %dma_start3A_65 = tpu.memref_slice %arg6[%mul3A_64] : memref<10000xi32, #tpu.memory_space<vmem>> -> memref<80xi32, #tpu.memory_space<vmem>>
      %dma_start3A_66 = arith.constant 0 : i32
      %dma_start3A_67 = arith.constant 0 : i32
      %dma_start3A_68 = tpu.memref_slice %arg4[%dma_start3A_66, %dma_start3A_67] : memref<10112x128xf32, #tpu.memory_space<hbm>> -> memref<10112x128xf32, #tpu.memory_space<hbm>>
      tpu.enqueue_indirect_dma source(%dma_start3A_68 : memref<10112x128xf32, #tpu.memory_space<hbm>>) target(%arg9 : memref<80x128xf32, #tpu.memory_space<vmem>>) offsets(%dma_start3A_65 : memref<80xi32, #tpu.memory_space<vmem>>) semaphore(%arg11 : memref<!tpu.dma_semaphore, #tpu.memory_space<semaphore_mem>>)
      %mul3A_69 = arith.constant 80 : i32
      %mul3A_70 = arith.muli %mul3A_46, %mul3A_69 : i32
      %dma_wait3A_71 = tpu.memref_slice %arg7[%mul3A_70] : memref<10000xi32, #tpu.memory_space<vmem>> -> memref<80xi32, #tpu.memory_space<vmem>>
      %dma_wait3A_72 = arith.constant 0 : i32
      %dma_wait3A_73 = arith.constant 0 : i32
      %dma_wait3A_74 = tpu.memref_slice %arg4[%dma_wait3A_72, %dma_wait3A_73] : memref<10112x128xf32, #tpu.memory_space<hbm>> -> memref<10112x128xf32, #tpu.memory_space<hbm>>
      tpu.wait_indirect_dma semaphore(%arg12 : memref<!tpu.dma_semaphore, #tpu.memory_space<semaphore_mem>>) src(%dma_wait3A_74 : memref<10112x128xf32, #tpu.memory_space<hbm>>) dst(%arg8 : memref<80x128xf32, #tpu.memory_space<vmem>>)
      %mul3A_75 = arith.constant 80 : i32
      %mul3A_76 = arith.muli %mul3A_46, %mul3A_75 : i32
      %add3A_77 = arith.addi %mul3A_2, %mul3A_76 : i32
      %dma_start3A_78 = arith.constant 0 : i32
      %dma_start3A_79 = tpu.memref_slice %arg5[%add3A_77, %dma_start3A_78] : memref<320000x128xf32, #tpu.memory_space<hbm>> -> memref<80x128xf32, #tpu.memory_space<hbm>>
      %dma_start3A_80 = arith.constant 0 : i32
      %dma_start3A_81 = tpu.memref_slice %arg5[%add3A_77, %dma_start3A_80] : memref<320000x128xf32, #tpu.memory_space<hbm>> -> memref<80x128xf32, #tpu.memory_space<hbm>>
      tpu.enqueue_dma source(%arg8 : memref<80x128xf32, #tpu.memory_space<vmem>>) target(%dma_start3A_81 : memref<80x128xf32, #tpu.memory_space<hbm>>) target_semaphore(%arg14 : memref<!tpu.dma_semaphore, #tpu.memory_space<semaphore_mem>>)
      %add3A_82 = arith.constant 1 : i32
      %add3A_83 = arith.addi %mul3A_46, %add3A_82 : i32
      %mul3A_84 = arith.constant 80 : i32
      %mul3A_85 = arith.muli %add3A_83, %mul3A_84 : i32
      %dma_wait3A_86 = tpu.memref_slice %arg6[%mul3A_85] : memref<10000xi32, #tpu.memory_space<vmem>> -> memref<80xi32, #tpu.memory_space<vmem>>
      %dma_wait3A_87 = arith.constant 0 : i32
      %dma_wait3A_88 = arith.constant 0 : i32
      %dma_wait3A_89 = tpu.memref_slice %arg4[%dma_wait3A_87, %dma_wait3A_88] : memref<10112x128xf32, #tpu.memory_space<hbm>> -> memref<10112x128xf32, #tpu.memory_space<hbm>>
      tpu.wait_indirect_dma semaphore(%arg11 : memref<!tpu.dma_semaphore, #tpu.memory_space<semaphore_mem>>) src(%dma_wait3A_89 : memref<10112x128xf32, #tpu.memory_space<hbm>>) dst(%arg9 : memref<80x128xf32, #tpu.memory_space<vmem>>)
      %add3A_90 = arith.constant 1 : i32
      %add3A_91 = arith.addi %mul3A_46, %add3A_90 : i32
      %mul3A_92 = arith.constant 80 : i32
      %mul3A_93 = arith.muli %add3A_91, %mul3A_92 : i32
      %dma_start3A_94 = tpu.memref_slice %arg7[%mul3A_93] : memref<10000xi32, #tpu.memory_space<vmem>> -> memref<80xi32, #tpu.memory_space<vmem>>
      %dma_start3A_95 = arith.constant 0 : i32
      %dma_start3A_96 = arith.constant 0 : i32
      %dma_start3A_97 = tpu.memref_slice %arg4[%dma_start3A_95, %dma_start3A_96] : memref<10112x128xf32, #tpu.memory_space<hbm>> -> memref<10112x128xf32, #tpu.memory_space<hbm>>
      tpu.enqueue_indirect_dma source(%dma_start3A_97 : memref<10112x128xf32, #tpu.memory_space<hbm>>) target(%arg9 : memref<80x128xf32, #tpu.memory_space<vmem>>) offsets(%dma_start3A_94 : memref<80xi32, #tpu.memory_space<vmem>>) semaphore(%arg13 : memref<!tpu.dma_semaphore, #tpu.memory_space<semaphore_mem>>) {add = true}
      %mul3A_98 = arith.constant 80 : i32
      %mul3A_99 = arith.muli %mul3A_46, %mul3A_98 : i32
      %add3A_100 = arith.addi %mul3A_2, %mul3A_99 : i32
      %dma_wait3A_101 = arith.constant 0 : i32
      %dma_wait3A_102 = tpu.memref_slice %arg5[%add3A_100, %dma_wait3A_101] : memref<320000x128xf32, #tpu.memory_space<hbm>> -> memref<80x128xf32, #tpu.memory_space<hbm>>
      %dma_wait3A_103 = arith.constant 0 : i32
      %dma_wait3A_104 = tpu.memref_slice %arg5[%add3A_100, %dma_wait3A_103] : memref<320000x128xf32, #tpu.memory_space<hbm>> -> memref<80x128xf32, #tpu.memory_space<hbm>>
      tpu.wait_dma2 semaphore(%arg14 : memref<!tpu.dma_semaphore, #tpu.memory_space<semaphore_mem>>) src(%arg8 : memref<80x128xf32, #tpu.memory_space<vmem>>) dst(%dma_wait3A_104 : memref<80x128xf32, #tpu.memory_space<hbm>>)
      %add3A_105 = arith.constant 2 : i32
      %add3A_106 = arith.addi %mul3A_46, %add3A_105 : i32
      %mul3A_107 = arith.constant 80 : i32
      %mul3A_108 = arith.muli %add3A_106, %mul3A_107 : i32
      %dma_start3A_109 = tpu.memref_slice %arg6[%mul3A_108] : memref<10000xi32, #tpu.memory_space<vmem>> -> memref<80xi32, #tpu.memory_space<vmem>>
      %dma_start3A_110 = arith.constant 0 : i32
      %dma_start3A_111 = arith.constant 0 : i32
      %dma_start3A_112 = tpu.memref_slice %arg4[%dma_start3A_110, %dma_start3A_111] : memref<10112x128xf32, #tpu.memory_space<hbm>> -> memref<10112x128xf32, #tpu.memory_space<hbm>>
      tpu.enqueue_indirect_dma source(%dma_start3A_112 : memref<10112x128xf32, #tpu.memory_space<hbm>>) target(%arg8 : memref<80x128xf32, #tpu.memory_space<vmem>>) offsets(%dma_start3A_109 : memref<80xi32, #tpu.memory_space<vmem>>) semaphore(%arg10 : memref<!tpu.dma_semaphore, #tpu.memory_space<semaphore_mem>>)
      %add3A_113 = arith.constant 1 : i32
      %add3A_114 = arith.addi %mul3A_46, %add3A_113 : i32
      %mul3A_115 = arith.constant 80 : i32
      %mul3A_116 = arith.muli %add3A_114, %mul3A_115 : i32
      %dma_wait3A_117 = tpu.memref_slice %arg7[%mul3A_116] : memref<10000xi32, #tpu.memory_space<vmem>> -> memref<80xi32, #tpu.memory_space<vmem>>
      %dma_wait3A_118 = arith.constant 0 : i32
      %dma_wait3A_119 = arith.constant 0 : i32
      %dma_wait3A_120 = tpu.memref_slice %arg4[%dma_wait3A_118, %dma_wait3A_119] : memref<10112x128xf32, #tpu.memory_space<hbm>> -> memref<10112x128xf32, #tpu.memory_space<hbm>>
      tpu.wait_indirect_dma semaphore(%arg13 : memref<!tpu.dma_semaphore, #tpu.memory_space<semaphore_mem>>) src(%dma_wait3A_120 : memref<10112x128xf32, #tpu.memory_space<hbm>>) dst(%arg9 : memref<80x128xf32, #tpu.memory_space<vmem>>)
      %add3A_121 = arith.constant 1 : i32
      %add3A_122 = arith.addi %mul3A_46, %add3A_121 : i32
      %mul3A_123 = arith.constant 80 : i32
      %mul3A_124 = arith.muli %add3A_122, %mul3A_123 : i32
      %add3A_125 = arith.addi %mul3A_2, %mul3A_124 : i32
      %dma_start3A_126 = arith.constant 0 : i32
      %dma_start3A_127 = tpu.memref_slice %arg5[%add3A_125, %dma_start3A_126] : memref<320000x128xf32, #tpu.memory_space<hbm>> -> memref<80x128xf32, #tpu.memory_space<hbm>>
      %dma_start3A_128 = arith.constant 0 : i32
      %dma_start3A_129 = tpu.memref_slice %arg5[%add3A_125, %dma_start3A_128] : memref<320000x128xf32, #tpu.memory_space<hbm>> -> memref<80x128xf32, #tpu.memory_space<hbm>>
      tpu.enqueue_dma source(%arg9 : memref<80x128xf32, #tpu.memory_space<vmem>>) target(%dma_start3A_129 : memref<80x128xf32, #tpu.memory_space<hbm>>) target_semaphore(%arg15 : memref<!tpu.dma_semaphore, #tpu.memory_space<semaphore_mem>>)
    }
    %scan3A_11 = arith.constant 62 : i32
    %add3A_12 = arith.constant 9840 : i32
    %add3A_13 = arith.addi %mul3A_2, %add3A_12 : i32
    %dma_wait3A = arith.constant 0 : i32
    %dma_wait3A_14 = tpu.memref_slice %arg5[%add3A_13, %dma_wait3A] : memref<320000x128xf32, #tpu.memory_space<hbm>> -> memref<80x128xf32, #tpu.memory_space<hbm>>
    %dma_wait3A_15 = arith.constant 0 : i32
    %dma_wait3A_16 = tpu.memref_slice %arg5[%add3A_13, %dma_wait3A_15] : memref<320000x128xf32, #tpu.memory_space<hbm>> -> memref<80x128xf32, #tpu.memory_space<hbm>>
    tpu.wait_dma2 semaphore(%arg15 : memref<!tpu.dma_semaphore, #tpu.memory_space<semaphore_mem>>) src(%arg9 : memref<80x128xf32, #tpu.memory_space<vmem>>) dst(%dma_wait3A_16 : memref<80x128xf32, #tpu.memory_space<hbm>>)
    %dma_wait3A_17 = arith.constant 9920 : i32
    %dma_wait3A_18 = tpu.memref_slice %arg6[%dma_wait3A_17] : memref<10000xi32, #tpu.memory_space<vmem>> -> memref<80xi32, #tpu.memory_space<vmem>>
    %dma_wait3A_19 = arith.constant 0 : i32
    %dma_wait3A_20 = arith.constant 0 : i32
    %dma_wait3A_21 = tpu.memref_slice %arg4[%dma_wait3A_19, %dma_wait3A_20] : memref<10112x128xf32, #tpu.memory_space<hbm>> -> memref<10112x128xf32, #tpu.memory_space<hbm>>
    tpu.wait_indirect_dma semaphore(%arg10 : memref<!tpu.dma_semaphore, #tpu.memory_space<semaphore_mem>>) src(%dma_wait3A_21 : memref<10112x128xf32, #tpu.memory_space<hbm>>) dst(%arg8 : memref<80x128xf32, #tpu.memory_space<vmem>>)
    %dma_start3A_22 = arith.constant 9920 : i32
    %dma_start3A_23 = tpu.memref_slice %arg7[%dma_start3A_22] : memref<10000xi32, #tpu.memory_space<vmem>> -> memref<80xi32, #tpu.memory_space<vmem>>
    %dma_start3A_24 = arith.constant 0 : i32
    %dma_start3A_25 = arith.constant 0 : i32
    %dma_start3A_26 = tpu.memref_slice %arg4[%dma_start3A_24, %dma_start3A_25] : memref<10112x128xf32, #tpu.memory_space<hbm>> -> memref<10112x128xf32, #tpu.memory_space<hbm>>
    tpu.enqueue_indirect_dma source(%dma_start3A_26 : memref<10112x128xf32, #tpu.memory_space<hbm>>) target(%arg8 : memref<80x128xf32, #tpu.memory_space<vmem>>) offsets(%dma_start3A_23 : memref<80xi32, #tpu.memory_space<vmem>>) semaphore(%arg12 : memref<!tpu.dma_semaphore, #tpu.memory_space<semaphore_mem>>) {add = true}
    %dma_wait3A_27 = arith.constant 9920 : i32
    %dma_wait3A_28 = tpu.memref_slice %arg7[%dma_wait3A_27] : memref<10000xi32, #tpu.memory_space<vmem>> -> memref<80xi32, #tpu.memory_space<vmem>>
    %dma_wait3A_29 = arith.constant 0 : i32
    %dma_wait3A_30 = arith.constant 0 : i32
    %dma_wait3A_31 = tpu.memref_slice %arg4[%dma_wait3A_29, %dma_wait3A_30] : memref<10112x128xf32, #tpu.memory_space<hbm>> -> memref<10112x128xf32, #tpu.memory_space<hbm>>
    tpu.wait_indirect_dma semaphore(%arg12 : memref<!tpu.dma_semaphore, #tpu.memory_space<semaphore_mem>>) src(%dma_wait3A_31 : memref<10112x128xf32, #tpu.memory_space<hbm>>) dst(%arg8 : memref<80x128xf32, #tpu.memory_space<vmem>>)
    %add3A_32 = arith.constant 9920 : i32
    %add3A_33 = arith.addi %mul3A_2, %add3A_32 : i32
    %dma_start3A_34 = arith.constant 0 : i32
    %dma_start3A_35 = tpu.memref_slice %arg5[%add3A_33, %dma_start3A_34] : memref<320000x128xf32, #tpu.memory_space<hbm>> -> memref<80x128xf32, #tpu.memory_space<hbm>>
    %dma_start3A_36 = arith.constant 0 : i32
    %dma_start3A_37 = tpu.memref_slice %arg5[%add3A_33, %dma_start3A_36] : memref<320000x128xf32, #tpu.memory_space<hbm>> -> memref<80x128xf32, #tpu.memory_space<hbm>>
    tpu.enqueue_dma source(%arg8 : memref<80x128xf32, #tpu.memory_space<vmem>>) target(%dma_start3A_37 : memref<80x128xf32, #tpu.memory_space<hbm>>) target_semaphore(%arg14 : memref<!tpu.dma_semaphore, #tpu.memory_space<semaphore_mem>>)
    %add3A_38 = arith.constant 9920 : i32
    %add3A_39 = arith.addi %mul3A_2, %add3A_38 : i32
    %dma_wait3A_40 = arith.constant 0 : i32
    %dma_wait3A_41 = tpu.memref_slice %arg5[%add3A_39, %dma_wait3A_40] : memref<320000x128xf32, #tpu.memory_space<hbm>> -> memref<80x128xf32, #tpu.memory_space<hbm>>
    %dma_wait3A_42 = arith.constant 0 : i32
    %dma_wait3A_43 = tpu.memref_slice %arg5[%add3A_39, %dma_wait3A_42] : memref<320000x128xf32, #tpu.memory_space<hbm>> -> memref<80x128xf32, #tpu.memory_space<hbm>>
    tpu.wait_dma2 semaphore(%arg14 : memref<!tpu.dma_semaphore, #tpu.memory_space<semaphore_mem>>) src(%arg8 : memref<80x128xf32, #tpu.memory_space<vmem>>) dst(%dma_wait3A_43 : memref<80x128xf32, #tpu.memory_space<hbm>>)
    return
  }
}

#map = affine_map<(d0, d1) -> (0, 0, 0)>
#map1 = affine_map<(d0, d1) -> (0, 0)>
module attributes {stable_mosaic.version = 14 : i64} {
  func.func @k(%arg0: i32, %arg1: i32, %arg2: memref<32x125x80xi32, #tpu.memory_space<hbm>>, %arg3: memref<632x16xf32, #tpu.memory_space<hbm>>, %arg4: memref<80x16xf32, #tpu.memory_space<hbm>>, %arg5: memref<20224x16xf32, #tpu.memory_space<hbm>>, %arg6: memref<10112x16xf32, #tpu.memory_space<vmem_shared>>, %arg7: memref<125x80xi32, #tpu.memory_space<vmem>>, %arg8: memref<80x16xf32, #tpu.memory_space<vmem>>, %arg9: memref<!tpu.dma_semaphore, #tpu.memory_space<semaphore_mem>>) attributes {dimension_semantics = [#tpu.dimension_semantics<core_parallel>, #tpu.dimension_semantics<subcore_parallel>], iteration_bounds = array<i64: 2, 16>, scalar_prefetch = 0 : i64, scratch_operands = 4 : i64, tpu.core_type = #tpu.core_type<sc_vector_subcore>, window_params = [{transform_indices = #map}, {transform_indices = #map1}, {transform_indices = #map1}, {transform_indices = #map1}]} {
    %mul3A = arith.constant 2 : i32
    %mul3A_0 = arith.muli %arg1, %mul3A : i32
    %add3A = arith.addi %mul3A_0, %arg0 : i32
    %mul3A_1 = arith.constant 632 : i32
    %mul3A_2 = arith.muli %arg1, %mul3A_1 : i32
    "tpu.region"() ({
      %run_scoped3A = tpu.sem_alloc : memref<!tpu.dma_semaphore, #tpu.memory_space<semaphore_mem>>
      %dma_start3A = arith.constant 0 : i32
      %dma_start3A_50 = tpu.memref_slice %arg6[%mul3A_2, %dma_start3A] : memref<10112x16xf32, #tpu.memory_space<vmem_shared>> -> memref<632x16xf32, #tpu.memory_space<vmem_shared>>
      tpu.enqueue_dma source(%arg3 : memref<632x16xf32, #tpu.memory_space<hbm>>) target(%dma_start3A_50 : memref<632x16xf32, #tpu.memory_space<vmem_shared>>) target_semaphore(%run_scoped3A : memref<!tpu.dma_semaphore, #tpu.memory_space<semaphore_mem>>)
      %dma_wait3A_51 = arith.constant 0 : i32
      %dma_wait3A_52 = tpu.memref_slice %arg6[%mul3A_2, %dma_wait3A_51] : memref<10112x16xf32, #tpu.memory_space<vmem_shared>> -> memref<632x16xf32, #tpu.memory_space<vmem_shared>>
      tpu.wait_dma2 semaphore(%run_scoped3A : memref<!tpu.dma_semaphore, #tpu.memory_space<semaphore_mem>>) src(%arg3 : memref<632x16xf32, #tpu.memory_space<hbm>>) dst(%dma_wait3A_52 : memref<632x16xf32, #tpu.memory_space<vmem_shared>>)
      tpu.yield
    }) : () -> ()
    "tpu.region"() ({
      %run_scoped3A = tpu.sem_alloc : memref<!tpu.dma_semaphore, #tpu.memory_space<semaphore_mem>>
      %dma_start3A = arith.constant 0 : i32
      %dma_start3A_50 = arith.constant 0 : i32
      %dma_start3A_51 = tpu.memref_slice %arg2[%add3A, %dma_start3A, %dma_start3A_50] : memref<32x125x80xi32, #tpu.memory_space<hbm>> -> memref<1x125x80xi32, #tpu.memory_space<hbm>>
      %dma_start3A_52 = tpu.memref_squeeze %dma_start3A_51 : memref<1x125x80xi32, #tpu.memory_space<hbm>> -> memref<125x80xi32, #tpu.memory_space<hbm>>
      %dma_start3A_53 = arith.constant 0 : i32
      %dma_start3A_54 = arith.constant 0 : i32
      %dma_start3A_55 = tpu.memref_slice %arg2[%add3A, %dma_start3A_53, %dma_start3A_54] : memref<32x125x80xi32, #tpu.memory_space<hbm>> -> memref<1x125x80xi32, #tpu.memory_space<hbm>>
      %dma_start3A_56 = tpu.memref_squeeze %dma_start3A_55 : memref<1x125x80xi32, #tpu.memory_space<hbm>> -> memref<125x80xi32, #tpu.memory_space<hbm>>
      tpu.enqueue_dma source(%dma_start3A_56 : memref<125x80xi32, #tpu.memory_space<hbm>>) target(%arg7 : memref<125x80xi32, #tpu.memory_space<vmem>>) target_semaphore(%run_scoped3A : memref<!tpu.dma_semaphore, #tpu.memory_space<semaphore_mem>>)
      %dma_wait3A_57 = arith.constant 0 : i32
      %dma_wait3A_58 = arith.constant 0 : i32
      %dma_wait3A_59 = tpu.memref_slice %arg2[%add3A, %dma_wait3A_57, %dma_wait3A_58] : memref<32x125x80xi32, #tpu.memory_space<hbm>> -> memref<1x125x80xi32, #tpu.memory_space<hbm>>
      %dma_wait3A_60 = tpu.memref_squeeze %dma_wait3A_59 : memref<1x125x80xi32, #tpu.memory_space<hbm>> -> memref<125x80xi32, #tpu.memory_space<hbm>>
      %dma_wait3A_61 = arith.constant 0 : i32
      %dma_wait3A_62 = arith.constant 0 : i32
      %dma_wait3A_63 = tpu.memref_slice %arg2[%add3A, %dma_wait3A_61, %dma_wait3A_62] : memref<32x125x80xi32, #tpu.memory_space<hbm>> -> memref<1x125x80xi32, #tpu.memory_space<hbm>>
      %dma_wait3A_64 = tpu.memref_squeeze %dma_wait3A_63 : memref<1x125x80xi32, #tpu.memory_space<hbm>> -> memref<125x80xi32, #tpu.memory_space<hbm>>
      tpu.wait_dma2 semaphore(%run_scoped3A : memref<!tpu.dma_semaphore, #tpu.memory_space<semaphore_mem>>) src(%dma_wait3A_64 : memref<125x80xi32, #tpu.memory_space<hbm>>) dst(%arg7 : memref<125x80xi32, #tpu.memory_space<vmem>>)
      tpu.yield
    }) : () -> ()
    "tpu.region"() ({
      %run_scoped3A = tpu.sem_alloc : memref<!tpu.dma_semaphore, #tpu.memory_space<semaphore_mem>>
      tpu.enqueue_dma source(%arg4 : memref<80x16xf32, #tpu.memory_space<hbm>>) target(%arg8 : memref<80x16xf32, #tpu.memory_space<vmem>>) target_semaphore(%run_scoped3A : memref<!tpu.dma_semaphore, #tpu.memory_space<semaphore_mem>>)
      tpu.wait_dma2 semaphore(%run_scoped3A : memref<!tpu.dma_semaphore, #tpu.memory_space<semaphore_mem>>) src(%arg4 : memref<80x16xf32, #tpu.memory_space<hbm>>) dst(%arg8 : memref<80x16xf32, #tpu.memory_space<vmem>>)
      tpu.yield
    }) : () -> ()
    %barrier3A = arith.constant 0 : index
    tpu.barrier barrier_id(%barrier3A)
    %scan3A = arith.constant 0 : i32
    %scan3A_3 = arith.constant 0 : i32
    %scan3A_4 = arith.constant 25 : i32
    %scan3A_5 = arith.addi %scan3A_3, %scan3A_4 : i32
    %scan3A_6 = arith.constant 1 : i32
    scf.for %scan3A_50 = %scan3A_3 to %scan3A_5 step %scan3A_6  : i32 {
      %mul3A_51 = arith.constant 5 : i32
      %mul3A_52 = arith.muli %scan3A_50, %mul3A_51 : i32
      %add3A_53 = arith.constant 0 : i32
      %add3A_54 = arith.addi %mul3A_52, %add3A_53 : i32
      %dma_start3A = arith.constant 0 : i32
      %dma_start3A_55 = tpu.memref_slice %arg7[%add3A_54, %dma_start3A] : memref<125x80xi32, #tpu.memory_space<vmem>> -> memref<1x80xi32, #tpu.memory_space<vmem>>
      %dma_start3A_56 = tpu.memref_squeeze %dma_start3A_55 : memref<1x80xi32, #tpu.memory_space<vmem>> -> memref<80xi32, #tpu.memory_space<vmem>>
      %dma_start3A_57 = arith.constant 0 : i32
      %dma_start3A_58 = arith.constant 0 : i32
      %dma_start3A_59 = tpu.memref_slice %arg6[%dma_start3A_57, %dma_start3A_58] : memref<10112x16xf32, #tpu.memory_space<vmem_shared>> -> memref<10112x16xf32, #tpu.memory_space<vmem_shared>>
      tpu.enqueue_indirect_dma source(%arg8 : memref<80x16xf32, #tpu.memory_space<vmem>>) target(%dma_start3A_59 : memref<10112x16xf32, #tpu.memory_space<vmem_shared>>) offsets(%dma_start3A_56 : memref<80xi32, #tpu.memory_space<vmem>>) semaphore(%arg9 : memref<!tpu.dma_semaphore, #tpu.memory_space<semaphore_mem>>) {add = true}
      %mul3A_60 = arith.constant 5 : i32
      %mul3A_61 = arith.muli %scan3A_50, %mul3A_60 : i32
      %add3A_62 = arith.constant 1 : i32
      %add3A_63 = arith.addi %mul3A_61, %add3A_62 : i32
      %dma_start3A_64 = arith.constant 0 : i32
      %dma_start3A_65 = tpu.memref_slice %arg7[%add3A_63, %dma_start3A_64] : memref<125x80xi32, #tpu.memory_space<vmem>> -> memref<1x80xi32, #tpu.memory_space<vmem>>
      %dma_start3A_66 = tpu.memref_squeeze %dma_start3A_65 : memref<1x80xi32, #tpu.memory_space<vmem>> -> memref<80xi32, #tpu.memory_space<vmem>>
      %dma_start3A_67 = arith.constant 0 : i32
      %dma_start3A_68 = arith.constant 0 : i32
      %dma_start3A_69 = tpu.memref_slice %arg6[%dma_start3A_67, %dma_start3A_68] : memref<10112x16xf32, #tpu.memory_space<vmem_shared>> -> memref<10112x16xf32, #tpu.memory_space<vmem_shared>>
      tpu.enqueue_indirect_dma source(%arg8 : memref<80x16xf32, #tpu.memory_space<vmem>>) target(%dma_start3A_69 : memref<10112x16xf32, #tpu.memory_space<vmem_shared>>) offsets(%dma_start3A_66 : memref<80xi32, #tpu.memory_space<vmem>>) semaphore(%arg9 : memref<!tpu.dma_semaphore, #tpu.memory_space<semaphore_mem>>) {add = true}
      %mul3A_70 = arith.constant 5 : i32
      %mul3A_71 = arith.muli %scan3A_50, %mul3A_70 : i32
      %add3A_72 = arith.constant 2 : i32
      %add3A_73 = arith.addi %mul3A_71, %add3A_72 : i32
      %dma_start3A_74 = arith.constant 0 : i32
      %dma_start3A_75 = tpu.memref_slice %arg7[%add3A_73, %dma_start3A_74] : memref<125x80xi32, #tpu.memory_space<vmem>> -> memref<1x80xi32, #tpu.memory_space<vmem>>
      %dma_start3A_76 = tpu.memref_squeeze %dma_start3A_75 : memref<1x80xi32, #tpu.memory_space<vmem>> -> memref<80xi32, #tpu.memory_space<vmem>>
      %dma_start3A_77 = arith.constant 0 : i32
      %dma_start3A_78 = arith.constant 0 : i32
      %dma_start3A_79 = tpu.memref_slice %arg6[%dma_start3A_77, %dma_start3A_78] : memref<10112x16xf32, #tpu.memory_space<vmem_shared>> -> memref<10112x16xf32, #tpu.memory_space<vmem_shared>>
      tpu.enqueue_indirect_dma source(%arg8 : memref<80x16xf32, #tpu.memory_space<vmem>>) target(%dma_start3A_79 : memref<10112x16xf32, #tpu.memory_space<vmem_shared>>) offsets(%dma_start3A_76 : memref<80xi32, #tpu.memory_space<vmem>>) semaphore(%arg9 : memref<!tpu.dma_semaphore, #tpu.memory_space<semaphore_mem>>) {add = true}
      %mul3A_80 = arith.constant 5 : i32
      %mul3A_81 = arith.muli %scan3A_50, %mul3A_80 : i32
      %add3A_82 = arith.constant 3 : i32
      %add3A_83 = arith.addi %mul3A_81, %add3A_82 : i32
      %dma_start3A_84 = arith.constant 0 : i32
      %dma_start3A_85 = tpu.memref_slice %arg7[%add3A_83, %dma_start3A_84] : memref<125x80xi32, #tpu.memory_space<vmem>> -> memref<1x80xi32, #tpu.memory_space<vmem>>
      %dma_start3A_86 = tpu.memref_squeeze %dma_start3A_85 : memref<1x80xi32, #tpu.memory_space<vmem>> -> memref<80xi32, #tpu.memory_space<vmem>>
      %dma_start3A_87 = arith.constant 0 : i32
      %dma_start3A_88 = arith.constant 0 : i32
      %dma_start3A_89 = tpu.memref_slice %arg6[%dma_start3A_87, %dma_start3A_88] : memref<10112x16xf32, #tpu.memory_space<vmem_shared>> -> memref<10112x16xf32, #tpu.memory_space<vmem_shared>>
      tpu.enqueue_indirect_dma source(%arg8 : memref<80x16xf32, #tpu.memory_space<vmem>>) target(%dma_start3A_89 : memref<10112x16xf32, #tpu.memory_space<vmem_shared>>) offsets(%dma_start3A_86 : memref<80xi32, #tpu.memory_space<vmem>>) semaphore(%arg9 : memref<!tpu.dma_semaphore, #tpu.memory_space<semaphore_mem>>) {add = true}
      %mul3A_90 = arith.constant 5 : i32
      %mul3A_91 = arith.muli %scan3A_50, %mul3A_90 : i32
      %add3A_92 = arith.constant 4 : i32
      %add3A_93 = arith.addi %mul3A_91, %add3A_92 : i32
      %dma_start3A_94 = arith.constant 0 : i32
      %dma_start3A_95 = tpu.memref_slice %arg7[%add3A_93, %dma_start3A_94] : memref<125x80xi32, #tpu.memory_space<vmem>> -> memref<1x80xi32, #tpu.memory_space<vmem>>
      %dma_start3A_96 = tpu.memref_squeeze %dma_start3A_95 : memref<1x80xi32, #tpu.memory_space<vmem>> -> memref<80xi32, #tpu.memory_space<vmem>>
      %dma_start3A_97 = arith.constant 0 : i32
      %dma_start3A_98 = arith.constant 0 : i32
      %dma_start3A_99 = tpu.memref_slice %arg6[%dma_start3A_97, %dma_start3A_98] : memref<10112x16xf32, #tpu.memory_space<vmem_shared>> -> memref<10112x16xf32, #tpu.memory_space<vmem_shared>>
      tpu.enqueue_indirect_dma source(%arg8 : memref<80x16xf32, #tpu.memory_space<vmem>>) target(%dma_start3A_99 : memref<10112x16xf32, #tpu.memory_space<vmem_shared>>) offsets(%dma_start3A_96 : memref<80xi32, #tpu.memory_space<vmem>>) semaphore(%arg9 : memref<!tpu.dma_semaphore, #tpu.memory_space<semaphore_mem>>) {add = true}
      %gt3A = arith.constant 0 : i32
      %gt3A_100 = arith.cmpi sgt, %scan3A_50, %gt3A : i32
      %convert_element_type3A = arith.extui %gt3A_100 : i1 to i32
      %cond3A = arith.constant 0 : i32
      %cond3A_101 = arith.cmpi ne, %convert_element_type3A, %cond3A : i32
      scf.if %cond3A_101 {
        %sub3A = arith.constant 1 : i32
        %sub3A_102 = arith.subi %scan3A_50, %sub3A : i32
        %mul3A_103 = arith.constant 5 : i32
        %mul3A_104 = arith.muli %sub3A_102, %mul3A_103 : i32
        %add3A_105 = arith.constant 0 : i32
        %add3A_106 = arith.addi %mul3A_104, %add3A_105 : i32
        %dma_wait3A_107 = arith.constant 0 : i32
        %dma_wait3A_108 = tpu.memref_slice %arg7[%add3A_106, %dma_wait3A_107] : memref<125x80xi32, #tpu.memory_space<vmem>> -> memref<1x80xi32, #tpu.memory_space<vmem>>
        %dma_wait3A_109 = tpu.memref_squeeze %dma_wait3A_108 : memref<1x80xi32, #tpu.memory_space<vmem>> -> memref<80xi32, #tpu.memory_space<vmem>>
        %dma_wait3A_110 = arith.constant 0 : i32
        %dma_wait3A_111 = arith.constant 0 : i32
        %dma_wait3A_112 = tpu.memref_slice %arg6[%dma_wait3A_110, %dma_wait3A_111] : memref<10112x16xf32, #tpu.memory_space<vmem_shared>> -> memref<10112x16xf32, #tpu.memory_space<vmem_shared>>
        tpu.wait_indirect_dma semaphore(%arg9 : memref<!tpu.dma_semaphore, #tpu.memory_space<semaphore_mem>>) src(%arg8 : memref<80x16xf32, #tpu.memory_space<vmem>>) dst(%dma_wait3A_112 : memref<10112x16xf32, #tpu.memory_space<vmem_shared>>)
        %mul3A_113 = arith.constant 5 : i32
        %mul3A_114 = arith.muli %sub3A_102, %mul3A_113 : i32
        %add3A_115 = arith.constant 1 : i32
        %add3A_116 = arith.addi %mul3A_114, %add3A_115 : i32
        %dma_wait3A_117 = arith.constant 0 : i32
        %dma_wait3A_118 = tpu.memref_slice %arg7[%add3A_116, %dma_wait3A_117] : memref<125x80xi32, #tpu.memory_space<vmem>> -> memref<1x80xi32, #tpu.memory_space<vmem>>
        %dma_wait3A_119 = tpu.memref_squeeze %dma_wait3A_118 : memref<1x80xi32, #tpu.memory_space<vmem>> -> memref<80xi32, #tpu.memory_space<vmem>>
        %dma_wait3A_120 = arith.constant 0 : i32
        %dma_wait3A_121 = arith.constant 0 : i32
        %dma_wait3A_122 = tpu.memref_slice %arg6[%dma_wait3A_120, %dma_wait3A_121] : memref<10112x16xf32, #tpu.memory_space<vmem_shared>> -> memref<10112x16xf32, #tpu.memory_space<vmem_shared>>
        tpu.wait_indirect_dma semaphore(%arg9 : memref<!tpu.dma_semaphore, #tpu.memory_space<semaphore_mem>>) src(%arg8 : memref<80x16xf32, #tpu.memory_space<vmem>>) dst(%dma_wait3A_122 : memref<10112x16xf32, #tpu.memory_space<vmem_shared>>)
        %mul3A_123 = arith.constant 5 : i32
        %mul3A_124 = arith.muli %sub3A_102, %mul3A_123 : i32
        %add3A_125 = arith.constant 2 : i32
        %add3A_126 = arith.addi %mul3A_124, %add3A_125 : i32
        %dma_wait3A_127 = arith.constant 0 : i32
        %dma_wait3A_128 = tpu.memref_slice %arg7[%add3A_126, %dma_wait3A_127] : memref<125x80xi32, #tpu.memory_space<vmem>> -> memref<1x80xi32, #tpu.memory_space<vmem>>
        %dma_wait3A_129 = tpu.memref_squeeze %dma_wait3A_128 : memref<1x80xi32, #tpu.memory_space<vmem>> -> memref<80xi32, #tpu.memory_space<vmem>>
        %dma_wait3A_130 = arith.constant 0 : i32
        %dma_wait3A_131 = arith.constant 0 : i32
        %dma_wait3A_132 = tpu.memref_slice %arg6[%dma_wait3A_130, %dma_wait3A_131] : memref<10112x16xf32, #tpu.memory_space<vmem_shared>> -> memref<10112x16xf32, #tpu.memory_space<vmem_shared>>
        tpu.wait_indirect_dma semaphore(%arg9 : memref<!tpu.dma_semaphore, #tpu.memory_space<semaphore_mem>>) src(%arg8 : memref<80x16xf32, #tpu.memory_space<vmem>>) dst(%dma_wait3A_132 : memref<10112x16xf32, #tpu.memory_space<vmem_shared>>)
        %mul3A_133 = arith.constant 5 : i32
        %mul3A_134 = arith.muli %sub3A_102, %mul3A_133 : i32
        %add3A_135 = arith.constant 3 : i32
        %add3A_136 = arith.addi %mul3A_134, %add3A_135 : i32
        %dma_wait3A_137 = arith.constant 0 : i32
        %dma_wait3A_138 = tpu.memref_slice %arg7[%add3A_136, %dma_wait3A_137] : memref<125x80xi32, #tpu.memory_space<vmem>> -> memref<1x80xi32, #tpu.memory_space<vmem>>
        %dma_wait3A_139 = tpu.memref_squeeze %dma_wait3A_138 : memref<1x80xi32, #tpu.memory_space<vmem>> -> memref<80xi32, #tpu.memory_space<vmem>>
        %dma_wait3A_140 = arith.constant 0 : i32
        %dma_wait3A_141 = arith.constant 0 : i32
        %dma_wait3A_142 = tpu.memref_slice %arg6[%dma_wait3A_140, %dma_wait3A_141] : memref<10112x16xf32, #tpu.memory_space<vmem_shared>> -> memref<10112x16xf32, #tpu.memory_space<vmem_shared>>
        tpu.wait_indirect_dma semaphore(%arg9 : memref<!tpu.dma_semaphore, #tpu.memory_space<semaphore_mem>>) src(%arg8 : memref<80x16xf32, #tpu.memory_space<vmem>>) dst(%dma_wait3A_142 : memref<10112x16xf32, #tpu.memory_space<vmem_shared>>)
        %mul3A_143 = arith.constant 5 : i32
        %mul3A_144 = arith.muli %sub3A_102, %mul3A_143 : i32
        %add3A_145 = arith.constant 4 : i32
        %add3A_146 = arith.addi %mul3A_144, %add3A_145 : i32
        %dma_wait3A_147 = arith.constant 0 : i32
        %dma_wait3A_148 = tpu.memref_slice %arg7[%add3A_146, %dma_wait3A_147] : memref<125x80xi32, #tpu.memory_space<vmem>> -> memref<1x80xi32, #tpu.memory_space<vmem>>
        %dma_wait3A_149 = tpu.memref_squeeze %dma_wait3A_148 : memref<1x80xi32, #tpu.memory_space<vmem>> -> memref<80xi32, #tpu.memory_space<vmem>>
        %dma_wait3A_150 = arith.constant 0 : i32
        %dma_wait3A_151 = arith.constant 0 : i32
        %dma_wait3A_152 = tpu.memref_slice %arg6[%dma_wait3A_150, %dma_wait3A_151] : memref<10112x16xf32, #tpu.memory_space<vmem_shared>> -> memref<10112x16xf32, #tpu.memory_space<vmem_shared>>
        tpu.wait_indirect_dma semaphore(%arg9 : memref<!tpu.dma_semaphore, #tpu.memory_space<semaphore_mem>>) src(%arg8 : memref<80x16xf32, #tpu.memory_space<vmem>>) dst(%dma_wait3A_152 : memref<10112x16xf32, #tpu.memory_space<vmem_shared>>)
      } else {
      }
    }
    %scan3A_7 = arith.constant 25 : i32
    %dma_wait3A = arith.constant 120 : i32
    %dma_wait3A_8 = arith.constant 0 : i32
    %dma_wait3A_9 = tpu.memref_slice %arg7[%dma_wait3A, %dma_wait3A_8] : memref<125x80xi32, #tpu.memory_space<vmem>> -> memref<1x80xi32, #tpu.memory_space<vmem>>
    %dma_wait3A_10 = tpu.memref_squeeze %dma_wait3A_9 : memref<1x80xi32, #tpu.memory_space<vmem>> -> memref<80xi32, #tpu.memory_space<vmem>>
    %dma_wait3A_11 = arith.constant 0 : i32
    %dma_wait3A_12 = arith.constant 0 : i32
    %dma_wait3A_13 = tpu.memref_slice %arg6[%dma_wait3A_11, %dma_wait3A_12] : memref<10112x16xf32, #tpu.memory_space<vmem_shared>> -> memref<10112x16xf32, #tpu.memory_space<vmem_shared>>
    tpu.wait_indirect_dma semaphore(%arg9 : memref<!tpu.dma_semaphore, #tpu.memory_space<semaphore_mem>>) src(%arg8 : memref<80x16xf32, #tpu.memory_space<vmem>>) dst(%dma_wait3A_13 : memref<10112x16xf32, #tpu.memory_space<vmem_shared>>)
    %dma_wait3A_14 = arith.constant 121 : i32
    %dma_wait3A_15 = arith.constant 0 : i32
    %dma_wait3A_16 = tpu.memref_slice %arg7[%dma_wait3A_14, %dma_wait3A_15] : memref<125x80xi32, #tpu.memory_space<vmem>> -> memref<1x80xi32, #tpu.memory_space<vmem>>
    %dma_wait3A_17 = tpu.memref_squeeze %dma_wait3A_16 : memref<1x80xi32, #tpu.memory_space<vmem>> -> memref<80xi32, #tpu.memory_space<vmem>>
    %dma_wait3A_18 = arith.constant 0 : i32
    %dma_wait3A_19 = arith.constant 0 : i32
    %dma_wait3A_20 = tpu.memref_slice %arg6[%dma_wait3A_18, %dma_wait3A_19] : memref<10112x16xf32, #tpu.memory_space<vmem_shared>> -> memref<10112x16xf32, #tpu.memory_space<vmem_shared>>
    tpu.wait_indirect_dma semaphore(%arg9 : memref<!tpu.dma_semaphore, #tpu.memory_space<semaphore_mem>>) src(%arg8 : memref<80x16xf32, #tpu.memory_space<vmem>>) dst(%dma_wait3A_20 : memref<10112x16xf32, #tpu.memory_space<vmem_shared>>)
    %dma_wait3A_21 = arith.constant 122 : i32
    %dma_wait3A_22 = arith.constant 0 : i32
    %dma_wait3A_23 = tpu.memref_slice %arg7[%dma_wait3A_21, %dma_wait3A_22] : memref<125x80xi32, #tpu.memory_space<vmem>> -> memref<1x80xi32, #tpu.memory_space<vmem>>
    %dma_wait3A_24 = tpu.memref_squeeze %dma_wait3A_23 : memref<1x80xi32, #tpu.memory_space<vmem>> -> memref<80xi32, #tpu.memory_space<vmem>>
    %dma_wait3A_25 = arith.constant 0 : i32
    %dma_wait3A_26 = arith.constant 0 : i32
    %dma_wait3A_27 = tpu.memref_slice %arg6[%dma_wait3A_25, %dma_wait3A_26] : memref<10112x16xf32, #tpu.memory_space<vmem_shared>> -> memref<10112x16xf32, #tpu.memory_space<vmem_shared>>
    tpu.wait_indirect_dma semaphore(%arg9 : memref<!tpu.dma_semaphore, #tpu.memory_space<semaphore_mem>>) src(%arg8 : memref<80x16xf32, #tpu.memory_space<vmem>>) dst(%dma_wait3A_27 : memref<10112x16xf32, #tpu.memory_space<vmem_shared>>)
    %dma_wait3A_28 = arith.constant 123 : i32
    %dma_wait3A_29 = arith.constant 0 : i32
    %dma_wait3A_30 = tpu.memref_slice %arg7[%dma_wait3A_28, %dma_wait3A_29] : memref<125x80xi32, #tpu.memory_space<vmem>> -> memref<1x80xi32, #tpu.memory_space<vmem>>
    %dma_wait3A_31 = tpu.memref_squeeze %dma_wait3A_30 : memref<1x80xi32, #tpu.memory_space<vmem>> -> memref<80xi32, #tpu.memory_space<vmem>>
    %dma_wait3A_32 = arith.constant 0 : i32
    %dma_wait3A_33 = arith.constant 0 : i32
    %dma_wait3A_34 = tpu.memref_slice %arg6[%dma_wait3A_32, %dma_wait3A_33] : memref<10112x16xf32, #tpu.memory_space<vmem_shared>> -> memref<10112x16xf32, #tpu.memory_space<vmem_shared>>
    tpu.wait_indirect_dma semaphore(%arg9 : memref<!tpu.dma_semaphore, #tpu.memory_space<semaphore_mem>>) src(%arg8 : memref<80x16xf32, #tpu.memory_space<vmem>>) dst(%dma_wait3A_34 : memref<10112x16xf32, #tpu.memory_space<vmem_shared>>)
    %dma_wait3A_35 = arith.constant 124 : i32
    %dma_wait3A_36 = arith.constant 0 : i32
    %dma_wait3A_37 = tpu.memref_slice %arg7[%dma_wait3A_35, %dma_wait3A_36] : memref<125x80xi32, #tpu.memory_space<vmem>> -> memref<1x80xi32, #tpu.memory_space<vmem>>
    %dma_wait3A_38 = tpu.memref_squeeze %dma_wait3A_37 : memref<1x80xi32, #tpu.memory_space<vmem>> -> memref<80xi32, #tpu.memory_space<vmem>>
    %dma_wait3A_39 = arith.constant 0 : i32
    %dma_wait3A_40 = arith.constant 0 : i32
    %dma_wait3A_41 = tpu.memref_slice %arg6[%dma_wait3A_39, %dma_wait3A_40] : memref<10112x16xf32, #tpu.memory_space<vmem_shared>> -> memref<10112x16xf32, #tpu.memory_space<vmem_shared>>
    tpu.wait_indirect_dma semaphore(%arg9 : memref<!tpu.dma_semaphore, #tpu.memory_space<semaphore_mem>>) src(%arg8 : memref<80x16xf32, #tpu.memory_space<vmem>>) dst(%dma_wait3A_41 : memref<10112x16xf32, #tpu.memory_space<vmem_shared>>)
    %barrier3A_42 = arith.constant 0 : index
    tpu.barrier barrier_id(%barrier3A_42)
    %mul3A_43 = arith.constant 632 : i32
    %mul3A_44 = arith.muli %arg1, %mul3A_43 : i32
    %mul3A_45 = arith.constant 10112 : i32
    %mul3A_46 = arith.muli %arg0, %mul3A_45 : i32
    %mul3A_47 = arith.constant 632 : i32
    %mul3A_48 = arith.muli %arg1, %mul3A_47 : i32
    %add3A_49 = arith.addi %mul3A_46, %mul3A_48 : i32
    "tpu.region"() ({
      %run_scoped3A = tpu.sem_alloc : memref<!tpu.dma_semaphore, #tpu.memory_space<semaphore_mem>>
      %dma_start3A = arith.constant 0 : i32
      %dma_start3A_50 = tpu.memref_slice %arg5[%add3A_49, %dma_start3A] : memref<20224x16xf32, #tpu.memory_space<hbm>> -> memref<632x16xf32, #tpu.memory_space<hbm>>
      %dma_start3A_51 = arith.constant 0 : i32
      %dma_start3A_52 = tpu.memref_slice %arg6[%mul3A_44, %dma_start3A_51] : memref<10112x16xf32, #tpu.memory_space<vmem_shared>> -> memref<632x16xf32, #tpu.memory_space<vmem_shared>>
      tpu.enqueue_dma source(%dma_start3A_52 : memref<632x16xf32, #tpu.memory_space<vmem_shared>>) target(%dma_start3A_50 : memref<632x16xf32, #tpu.memory_space<hbm>>) target_semaphore(%run_scoped3A : memref<!tpu.dma_semaphore, #tpu.memory_space<semaphore_mem>>)
      %dma_wait3A_53 = arith.constant 0 : i32
      %dma_wait3A_54 = tpu.memref_slice %arg5[%add3A_49, %dma_wait3A_53] : memref<20224x16xf32, #tpu.memory_space<hbm>> -> memref<632x16xf32, #tpu.memory_space<hbm>>
      %dma_wait3A_55 = arith.constant 0 : i32
      %dma_wait3A_56 = tpu.memref_slice %arg6[%mul3A_44, %dma_wait3A_55] : memref<10112x16xf32, #tpu.memory_space<vmem_shared>> -> memref<632x16xf32, #tpu.memory_space<vmem_shared>>
      tpu.wait_dma2 semaphore(%run_scoped3A : memref<!tpu.dma_semaphore, #tpu.memory_space<semaphore_mem>>) src(%dma_wait3A_56 : memref<632x16xf32, #tpu.memory_space<vmem_shared>>) dst(%dma_wait3A_54 : memref<632x16xf32, #tpu.memory_space<hbm>>)
      tpu.yield
    }) : () -> ()
    return
  }
}

module attributes {stable_mosaic.version = 14 : i64} {
  func.func @_tc_h_body(%arg0: memref<10112x128xf32, #tpu.memory_space<vmem>>, %arg1: memref<128x128xf32, #tpu.memory_space<vmem>>, %arg2: memref<10112x128xf32, #tpu.memory_space<vmem>>) attributes {dimension_semantics = [], scalar_prefetch = 0 : i64, scratch_operands = 0 : i64, tpu.core_type = #tpu.core_type<tc>} {
    %get3A = arith.constant 0 : index
    %get3A_0 = arith.constant 0 : index
    %get3A_1 = vector.load %arg0[%get3A, %get3A_0] : memref<10112x128xf32, #tpu.memory_space<vmem>>, vector<10112x128xf32>
    %get3A_2 = arith.constant 0 : index
    %get3A_3 = arith.constant 0 : index
    %get3A_4 = vector.load %arg1[%get3A_2, %get3A_3] : memref<128x128xf32, #tpu.memory_space<vmem>>, vector<128x128xf32>
    %dot_general3A = arith.constant dense<0.000000e+00> : vector<10112x128xf32>
    %dot_general3A_5 = tpu.matmul %get3A_1, %get3A_4, %dot_general3A {dimension_numbers = #tpu.dot_dimension_numbers<[1], [0], [0], [1], [0, 0, 1, 1], [], []>, transpose_lhs_hint = false} : vector<10112x128xf32>, vector<128x128xf32>, vector<10112x128xf32> -> vector<10112x128xf32>
    %swap3A = arith.constant 0 : index
    %swap3A_6 = arith.constant 0 : index
    %swap3A_7 = vector.load %arg2[%swap3A, %swap3A_6] : memref<10112x128xf32, #tpu.memory_space<vmem>>, vector<10112x128xf32>
    tpu.vector_store %arg2[%swap3A, %swap3A_6], %dot_general3A_5 {strides = array<i32>} : memref<10112x128xf32, #tpu.memory_space<vmem>>, vector<10112x128xf32>,
    return
  }
}

module attributes {stable_mosaic.version = 14 : i64} {
  func.func @_tc_hn_body(%arg0: memref<10112x128xf32, #tpu.memory_space<vmem>>, %arg1: memref<10112x1xf32, #tpu.memory_space<vmem>>, %arg2: memref<10112x1xf32, #tpu.memory_space<vmem>>, %arg3: memref<10112x128xf32, #tpu.memory_space<vmem>>) attributes {dimension_semantics = [], scalar_prefetch = 0 : i64, scratch_operands = 0 : i64, tpu.core_type = #tpu.core_type<tc>} {
    %get3A = arith.constant 0 : index
    %get3A_0 = arith.constant 0 : index
    %get3A_1 = vector.load %arg1[%get3A, %get3A_0] : memref<10112x1xf32, #tpu.memory_space<vmem>>, vector<10112x1xf32>
    %get3A_2 = arith.constant 0 : index
    %get3A_3 = arith.constant 0 : index
    %get3A_4 = vector.load %arg2[%get3A_2, %get3A_3] : memref<10112x1xf32, #tpu.memory_space<vmem>>, vector<10112x1xf32>
    %add3A = arith.addf %get3A_1, %get3A_4 : vector<10112x1xf32>
    %add3A_5 = arith.constant 1.000000e+00 : f32
    %add3A_6 = vector.broadcast %add3A_5 : f32 to vector<10112x1xf32>
    %add3A_7 = arith.addf %add3A, %add3A_6 : vector<10112x1xf32>
    %rsqrt3A = math.rsqrt %add3A_7 : vector<10112x1xf32>
    %get3A_8 = arith.constant 0 : index
    %get3A_9 = arith.constant 0 : index
    %get3A_10 = vector.load %arg0[%get3A_8, %get3A_9] : memref<10112x128xf32, #tpu.memory_space<vmem>>, vector<10112x128xf32>
    %mul3A = vector.broadcast %rsqrt3A : vector<10112x1xf32> to vector<10112x128xf32>
    %mul3A_11 = arith.mulf %get3A_10, %mul3A : vector<10112x128xf32>
    %swap3A = arith.constant 0 : index
    %swap3A_12 = arith.constant 0 : index
    %swap3A_13 = vector.load %arg3[%swap3A, %swap3A_12] : memref<10112x128xf32, #tpu.memory_space<vmem>>, vector<10112x128xf32>
    tpu.vector_store %arg3[%swap3A, %swap3A_12], %mul3A_11 {strides = array<i32>} : memref<10112x128xf32, #tpu.memory_space<vmem>>, vector<10112x128xf32>,
    return
  }
}

module attributes {stable_mosaic.version = 14 : i64} {
  func.func @_tc_nodes_body(%arg0: i32, %arg1: memref<10112x128xf32, #tpu.memory_space<vmem>>, %arg2: memref<10112x128xf32, #tpu.memory_space<vmem>>, %arg3: memref<10112x128xf32, #tpu.memory_space<vmem>>, %arg4: memref<10112x1xf32, #tpu.memory_space<vmem>>, %arg5: memref<10112x1xf32, #tpu.memory_space<vmem>>, %arg6: memref<1x128xf32, #tpu.memory_space<vmem>>, %arg7: memref<128x128xf32, #tpu.memory_space<vmem>>, %arg8: memref<1x128xf32, #tpu.memory_space<vmem>>, %arg9: memref<128x128xf32, #tpu.memory_space<vmem>>, %arg10: memref<1x128xf32, #tpu.memory_space<vmem>>, %arg11: memref<10112x128xf32, #tpu.memory_space<vmem>>) attributes {dimension_semantics = [#tpu.dimension_semantics<arbitrary>], iteration_bounds = array<i64: 1>, scalar_prefetch = 0 : i64, scratch_operands = 0 : i64, tpu.core_type = #tpu.core_type<tc>, window_params = [{transform_indices = @transform_0, window_bounds = array<i64: 10112, 128>}, {transform_indices = @transform_1, window_bounds = array<i64: 10112, 128>}, {pipeline_mode = #tpu.pipeline_mode<synchronous>, transform_indices = @transform_2, window_bounds = array<i64: 10112, 128>}, {pipeline_mode = #tpu.pipeline_mode<synchronous>, transform_indices = @transform_3, window_bounds = array<i64: 10112, 1>}, {pipeline_mode = #tpu.pipeline_mode<synchronous>, transform_indices = @transform_4, window_bounds = array<i64: 10112, 1>}, {pipeline_mode = #tpu.pipeline_mode<synchronous>, transform_indices = @transform_5, window_bounds = array<i64: 1, 128>}, {pipeline_mode = #tpu.pipeline_mode<synchronous>, transform_indices = @transform_6, window_bounds = array<i64: 128, 128>}, {pipeline_mode = #tpu.pipeline_mode<synchronous>, transform_indices = @transform_7, window_bounds = array<i64: 1, 128>}, {pipeline_mode = #tpu.pipeline_mode<synchronous>, transform_indices = @transform_8, window_bounds = array<i64: 128, 128>}, {pipeline_mode = #tpu.pipeline_mode<synchronous>, transform_indices = @transform_9, window_bounds = array<i64: 1, 128>}, {pipeline_mode = #tpu.pipeline_mode<synchronous>, transform_indices = @transform_10, window_bounds = array<i64: 10112, 128>}]} {
    %get3A = arith.constant 0 : index
    %get3A_0 = arith.constant 0 : index
    %get3A_1 = vector.load %arg4[%get3A, %get3A_0] : memref<10112x1xf32, #tpu.memory_space<vmem>>, vector<10112x1xf32>
    %get3A_2 = arith.constant 0 : index
    %get3A_3 = arith.constant 0 : index
    %get3A_4 = vector.load %arg5[%get3A_2, %get3A_3] : memref<10112x1xf32, #tpu.memory_space<vmem>>, vector<10112x1xf32>
    %add3A = arith.addf %get3A_1, %get3A_4 : vector<10112x1xf32>
    %add3A_5 = arith.constant 1.000000e+00 : f32
    %add3A_6 = vector.broadcast %add3A_5 : f32 to vector<10112x1xf32>
    %add3A_7 = arith.addf %add3A, %add3A_6 : vector<10112x1xf32>
    %rsqrt3A = math.rsqrt %add3A_7 : vector<10112x1xf32>
    %get3A_8 = arith.constant 0 : index
    %get3A_9 = arith.constant 0 : index
    %get3A_10 = vector.load %arg3[%get3A_8, %get3A_9] : memref<10112x128xf32, #tpu.memory_space<vmem>>, vector<10112x128xf32>
    %get3A_11 = arith.constant 0 : index
    %get3A_12 = arith.constant 0 : index
    %get3A_13 = vector.load %arg1[%get3A_11, %get3A_12] : memref<10112x128xf32, #tpu.memory_space<vmem>>, vector<10112x128xf32>
    %get3A_14 = arith.constant 0 : index
    %get3A_15 = arith.constant 0 : index
    %get3A_16 = vector.load %arg2[%get3A_14, %get3A_15] : memref<10112x128xf32, #tpu.memory_space<vmem>>, vector<10112x128xf32>
    %add3A_17 = arith.addf %get3A_13, %get3A_16 : vector<10112x128xf32>
    %add3A_18 = arith.addf %add3A_17, %get3A_10 : vector<10112x128xf32>
    %mul3A = vector.broadcast %rsqrt3A : vector<10112x1xf32> to vector<10112x128xf32>
    %mul3A_19 = arith.mulf %mul3A, %add3A_18 : vector<10112x128xf32>
    %get3A_20 = arith.constant 0 : index
    %get3A_21 = arith.constant 0 : index
    %get3A_22 = vector.load %arg6[%get3A_20, %get3A_21] : memref<1x128xf32, #tpu.memory_space<vmem>>, vector<1x128xf32>
    %add3A_23 = vector.broadcast %get3A_22 : vector<1x128xf32> to vector<10112x128xf32>
    %add3A_24 = arith.addf %mul3A_19, %add3A_23 : vector<10112x128xf32>
    %max3A = arith.constant 0.000000e+00 : f32
    %max3A_25 = vector.broadcast %max3A : f32 to vector<10112x128xf32>
    %max3A_26 = arith.maximumf %add3A_24, %max3A_25 : vector<10112x128xf32>
    %get3A_27 = arith.constant 0 : index
    %get3A_28 = arith.constant 0 : index
    %get3A_29 = vector.load %arg7[%get3A_27, %get3A_28] : memref<128x128xf32, #tpu.memory_space<vmem>>, vector<128x128xf32>
    %dot_general3A = arith.constant dense<0.000000e+00> : vector<10112x128xf32>
    %dot_general3A_30 = tpu.matmul %max3A_26, %get3A_29, %dot_general3A {dimension_numbers = #tpu.dot_dimension_numbers<[1], [0], [0], [1], [0, 0, 1, 1], [], []>, transpose_lhs_hint = false} : vector<10112x128xf32>, vector<128x128xf32>, vector<10112x128xf32> -> vector<10112x128xf32>
    %get3A_31 = arith.constant 0 : index
    %get3A_32 = arith.constant 0 : index
    %get3A_33 = vector.load %arg8[%get3A_31, %get3A_32] : memref<1x128xf32, #tpu.memory_space<vmem>>, vector<1x128xf32>
    %add3A_34 = vector.broadcast %get3A_33 : vector<1x128xf32> to vector<10112x128xf32>
    %add3A_35 = arith.addf %dot_general3A_30, %add3A_34 : vector<10112x128xf32>
    %max3A_36 = arith.constant 0.000000e+00 : f32
    %max3A_37 = vector.broadcast %max3A_36 : f32 to vector<10112x128xf32>
    %max3A_38 = arith.maximumf %add3A_35, %max3A_37 : vector<10112x128xf32>
    %get3A_39 = arith.constant 0 : index
    %get3A_40 = arith.constant 0 : index
    %get3A_41 = vector.load %arg9[%get3A_39, %get3A_40] : memref<128x128xf32, #tpu.memory_space<vmem>>, vector<128x128xf32>
    %dot_general3A_42 = arith.constant dense<0.000000e+00> : vector<10112x128xf32>
    %dot_general3A_43 = tpu.matmul %max3A_38, %get3A_41, %dot_general3A_42 {dimension_numbers = #tpu.dot_dimension_numbers<[1], [0], [0], [1], [0, 0, 1, 1], [], []>, transpose_lhs_hint = false} : vector<10112x128xf32>, vector<128x128xf32>, vector<10112x128xf32> -> vector<10112x128xf32>
    %get3A_44 = arith.constant 0 : index
    %get3A_45 = arith.constant 0 : index
    %get3A_46 = vector.load %arg10[%get3A_44, %get3A_45] : memref<1x128xf32, #tpu.memory_space<vmem>>, vector<1x128xf32>
    %add3A_47 = vector.broadcast %get3A_46 : vector<1x128xf32> to vector<10112x128xf32>
    %add3A_48 = arith.addf %dot_general3A_43, %add3A_47 : vector<10112x128xf32>
    %max3A_49 = arith.constant 0.000000e+00 : f32
    %max3A_50 = vector.broadcast %max3A_49 : f32 to vector<10112x128xf32>
    %max3A_51 = arith.maximumf %add3A_48, %max3A_50 : vector<10112x128xf32>
    %get3A_52 = arith.constant 0 : index
    %get3A_53 = arith.constant 0 : index
    %get3A_54 = vector.load %arg7[%get3A_52, %get3A_53] : memref<128x128xf32, #tpu.memory_space<vmem>>, vector<128x128xf32>
    %dot_general3A_55 = arith.constant dense<0.000000e+00> : vector<10112x128xf32>
    %dot_general3A_56 = tpu.matmul %max3A_51, %get3A_54, %dot_general3A_55 {dimension_numbers = #tpu.dot_dimension_numbers<[1], [0], [0], [1], [0, 0, 1, 1], [], []>, transpose_lhs_hint = false} : vector<10112x128xf32>, vector<128x128xf32>, vector<10112x128xf32> -> vector<10112x128xf32>
    %swap3A = arith.constant 0 : index
    %swap3A_57 = arith.constant 0 : index
    %swap3A_58 = vector.load %arg11[%swap3A, %swap3A_57] : memref<10112x128xf32, #tpu.memory_space<vmem>>, vector<10112x128xf32>
    tpu.vector_store %arg11[%swap3A, %swap3A_57], %dot_general3A_56 {strides = array<i32>} : memref<10112x128xf32, #tpu.memory_space<vmem>>, vector<10112x128xf32>,
    return
  }
  func.func @transform_0(%arg0: i32) -> (i32, i32) {
    %c0_i32 = arith.constant 0 : i32
    %c0_i32_0 = arith.constant 0 : i32
    %c0_i32_1 = arith.constant 0 : i32
    return %c0_i32, %c0_i32_0 : i32, i32
  }
  func.func @transform_1(%arg0: i32) -> (i32, i32) {
    %c1_i32 = arith.constant 1 : i32
    %c0_i32 = arith.constant 0 : i32
    %c0_i32_0 = arith.constant 0 : i32
    return %c1_i32, %c0_i32 : i32, i32
  }
  func.func @transform_2(%arg0: i32) -> (i32, i32) {
    %c0_i32 = arith.constant 0 : i32
    %c0_i32_0 = arith.constant 0 : i32
    %c0_i32_1 = arith.constant 0 : i32
    return %c0_i32, %c0_i32_0 : i32, i32
  }
  func.func @transform_3(%arg0: i32) -> (i32, i32) {
    %c0_i32 = arith.constant 0 : i32
    %c0_i32_0 = arith.constant 0 : i32
    %c0_i32_1 = arith.constant 0 : i32
    return %c0_i32, %c0_i32_0 : i32, i32
  }
  func.func @transform_4(%arg0: i32) -> (i32, i32) {
    %c0_i32 = arith.constant 0 : i32
    %c0_i32_0 = arith.constant 0 : i32
    %c0_i32_1 = arith.constant 0 : i32
    return %c0_i32, %c0_i32_0 : i32, i32
  }
  func.func @transform_5(%arg0: i32) -> (i32, i32) {
    %c0_i32 = arith.constant 0 : i32
    %c0_i32_0 = arith.constant 0 : i32
    %c0_i32_1 = arith.constant 0 : i32
    return %c0_i32, %c0_i32_0 : i32, i32
  }
  func.func @transform_6(%arg0: i32) -> (i32, i32) {
    %c0_i32 = arith.constant 0 : i32
    %c0_i32_0 = arith.constant 0 : i32
    %c0_i32_1 = arith.constant 0 : i32
    return %c0_i32, %c0_i32_0 : i32, i32
  }
  func.func @transform_7(%arg0: i32) -> (i32, i32) {
    %c0_i32 = arith.constant 0 : i32
    %c0_i32_0 = arith.constant 0 : i32
    %c0_i32_1 = arith.constant 0 : i32
    return %c0_i32, %c0_i32_0 : i32, i32
  }
  func.func @transform_8(%arg0: i32) -> (i32, i32) {
    %c0_i32 = arith.constant 0 : i32
    %c0_i32_0 = arith.constant 0 : i32
    %c0_i32_1 = arith.constant 0 : i32
    return %c0_i32, %c0_i32_0 : i32, i32
  }
  func.func @transform_9(%arg0: i32) -> (i32, i32) {
    %c0_i32 = arith.constant 0 : i32
    %c0_i32_0 = arith.constant 0 : i32
    %c0_i32_1 = arith.constant 0 : i32
    return %c0_i32, %c0_i32_0 : i32, i32
  }
  func.func @transform_10(%arg0: i32) -> (i32, i32) {
    %c0_i32 = arith.constant 0 : i32
    %c0_i32_0 = arith.constant 0 : i32
    %c0_i32_1 = arith.constant 0 : i32
    return %c0_i32, %c0_i32_0 : i32, i32
  }
}

module attributes {stable_mosaic.version = 14 : i64} {
  func.func @_tc_edges_body(%arg0: i32, %arg1: memref<4000x128xf32, #tpu.memory_space<vmem>>, %arg2: memref<1x128xf32, #tpu.memory_space<vmem>>, %arg3: memref<128x128xf32, #tpu.memory_space<vmem>>, %arg4: memref<1x128xf32, #tpu.memory_space<vmem>>, %arg5: memref<128x2xf32, #tpu.memory_space<vmem>>, %arg6: memref<1x2xf32, #tpu.memory_space<vmem>>, %arg7: memref<4000x2xf32, #tpu.memory_space<vmem>>) attributes {dimension_semantics = [#tpu.dimension_semantics<arbitrary>], iteration_bounds = array<i64: 80>, scalar_prefetch = 0 : i64, scratch_operands = 0 : i64, tpu.core_type = #tpu.core_type<tc>, window_params = [{transform_indices = @transform_0, window_bounds = array<i64: 4000, 128>}, {pipeline_mode = #tpu.pipeline_mode<synchronous>, transform_indices = @transform_1, window_bounds = array<i64: 1, 128>}, {pipeline_mode = #tpu.pipeline_mode<synchronous>, transform_indices = @transform_2, window_bounds = array<i64: 128, 128>}, {pipeline_mode = #tpu.pipeline_mode<synchronous>, transform_indices = @transform_3, window_bounds = array<i64: 1, 128>}, {pipeline_mode = #tpu.pipeline_mode<synchronous>, transform_indices = @transform_4, window_bounds = array<i64: 128, 2>}, {pipeline_mode = #tpu.pipeline_mode<synchronous>, transform_indices = @transform_5, window_bounds = array<i64: 1, 2>}, {transform_indices = @transform_6, window_bounds = array<i64: 4000, 2>}]} {
    %get3A = arith.constant 0 : index
    %get3A_0 = arith.constant 0 : index
    %get3A_1 = vector.load %arg1[%get3A, %get3A_0] : memref<4000x128xf32, #tpu.memory_space<vmem>>, vector<4000x128xf32>
    %mul3A = arith.constant 5.000000e-01 : f32
    %mul3A_2 = vector.broadcast %mul3A : f32 to vector<4000x128xf32>
    %mul3A_3 = arith.mulf %get3A_1, %mul3A_2 : vector<4000x128xf32>
    %get3A_4 = arith.constant 0 : index
    %get3A_5 = arith.constant 0 : index
    %get3A_6 = vector.load %arg2[%get3A_4, %get3A_5] : memref<1x128xf32, #tpu.memory_space<vmem>>, vector<1x128xf32>
    %add3A = vector.broadcast %get3A_6 : vector<1x128xf32> to vector<4000x128xf32>
    %add3A_7 = arith.addf %mul3A_3, %add3A : vector<4000x128xf32>
    %max3A = arith.constant 0.000000e+00 : f32
    %max3A_8 = vector.broadcast %max3A : f32 to vector<4000x128xf32>
    %max3A_9 = arith.maximumf %add3A_7, %max3A_8 : vector<4000x128xf32>
    %get3A_10 = arith.constant 0 : index
    %get3A_11 = arith.constant 0 : index
    %get3A_12 = vector.load %arg3[%get3A_10, %get3A_11] : memref<128x128xf32, #tpu.memory_space<vmem>>, vector<128x128xf32>
    %dot_general3A = arith.constant dense<0.000000e+00> : vector<4000x128xf32>
    %dot_general3A_13 = tpu.matmul %max3A_9, %get3A_12, %dot_general3A {dimension_numbers = #tpu.dot_dimension_numbers<[1], [0], [0], [1], [0, 0, 1, 1], [], []>, transpose_lhs_hint = false} : vector<4000x128xf32>, vector<128x128xf32>, vector<4000x128xf32> -> vector<4000x128xf32>
    %get3A_14 = arith.constant 0 : index
    %get3A_15 = arith.constant 0 : index
    %get3A_16 = vector.load %arg4[%get3A_14, %get3A_15] : memref<1x128xf32, #tpu.memory_space<vmem>>, vector<1x128xf32>
    %add3A_17 = vector.broadcast %get3A_16 : vector<1x128xf32> to vector<4000x128xf32>
    %add3A_18 = arith.addf %dot_general3A_13, %add3A_17 : vector<4000x128xf32>
    %max3A_19 = arith.constant 0.000000e+00 : f32
    %max3A_20 = vector.broadcast %max3A_19 : f32 to vector<4000x128xf32>
    %max3A_21 = arith.maximumf %add3A_18, %max3A_20 : vector<4000x128xf32>
    %get3A_22 = arith.constant 0 : index
    %get3A_23 = arith.constant 0 : index
    %get3A_24 = vector.load %arg5[%get3A_22, %get3A_23] : memref<128x2xf32, #tpu.memory_space<vmem>>, vector<128x2xf32>
    %dot_general3A_25 = arith.constant dense<0.000000e+00> : vector<4000x2xf32>
    %dot_general3A_26 = tpu.matmul %max3A_21, %get3A_24, %dot_general3A_25 {dimension_numbers = #tpu.dot_dimension_numbers<[1], [0], [0], [1], [0, 0, 1, 1], [], []>, transpose_lhs_hint = false} : vector<4000x128xf32>, vector<128x2xf32>, vector<4000x2xf32> -> vector<4000x2xf32>
    %get3A_27 = arith.constant 0 : index
    %get3A_28 = arith.constant 0 : index
    %get3A_29 = vector.load %arg6[%get3A_27, %get3A_28] : memref<1x2xf32, #tpu.memory_space<vmem>>, vector<1x2xf32>
    %add3A_30 = vector.broadcast %get3A_29 : vector<1x2xf32> to vector<4000x2xf32>
    %add3A_31 = arith.addf %dot_general3A_26, %add3A_30 : vector<4000x2xf32>
    %reduce_max3A = arith.constant dense<0xFF800000> : vector<4000xf32>
    %reduce_max3A_32 = vector.multi_reduction <maximumf>, %add3A_31, %reduce_max3A [1] : vector<4000x2xf32> to vector<4000xf32>
    %broadcast_in_dim3A = vector.shape_cast %reduce_max3A_32 : vector<4000xf32> to vector<4000x1xf32>
    %sub3A = vector.broadcast %broadcast_in_dim3A : vector<4000x1xf32> to vector<4000x2xf32>
    %sub3A_33 = arith.subf %add3A_31, %sub3A : vector<4000x2xf32>
    %exp3A = math.exp %sub3A_33 : vector<4000x2xf32>
    %reduce_sum3A = arith.constant dense<0.000000e+00> : vector<4000xf32>
    %reduce_sum3A_34 = vector.multi_reduction <add>, %exp3A, %reduce_sum3A [1] : vector<4000x2xf32> to vector<4000xf32>
    %broadcast_in_dim3A_35 = vector.shape_cast %reduce_sum3A_34 : vector<4000xf32> to vector<4000x1xf32>
    %log3A = math.log %broadcast_in_dim3A_35 : vector<4000x1xf32>
    %add3A_36 = arith.addf %broadcast_in_dim3A, %log3A : vector<4000x1xf32>
    %sub3A_37 = vector.broadcast %add3A_36 : vector<4000x1xf32> to vector<4000x2xf32>
    %sub3A_38 = arith.subf %add3A_31, %sub3A_37 : vector<4000x2xf32>
    %swap3A = arith.constant 0 : index
    %swap3A_39 = arith.constant 0 : index
    %swap3A_40 = vector.load %arg7[%swap3A, %swap3A_39] : memref<4000x2xf32, #tpu.memory_space<vmem>>, vector<4000x2xf32>
    tpu.vector_store %arg7[%swap3A, %swap3A_39], %sub3A_38 {strides = array<i32>} : memref<4000x2xf32, #tpu.memory_space<vmem>>, vector<4000x2xf32>,
    return
  }
  func.func @transform_0(%arg0: i32) -> (i32, i32) {
    %c0_i32 = arith.constant 0 : i32
    %c0_i32_0 = arith.constant 0 : i32
    return %arg0, %c0_i32 : i32, i32
  }
  func.func @transform_1(%arg0: i32) -> (i32, i32) {
    %c0_i32 = arith.constant 0 : i32
    %c0_i32_0 = arith.constant 0 : i32
    %c0_i32_1 = arith.constant 0 : i32
    return %c0_i32, %c0_i32_0 : i32, i32
  }
  func.func @transform_2(%arg0: i32) -> (i32, i32) {
    %c0_i32 = arith.constant 0 : i32
    %c0_i32_0 = arith.constant 0 : i32
    %c0_i32_1 = arith.constant 0 : i32
    return %c0_i32, %c0_i32_0 : i32, i32
  }
  func.func @transform_3(%arg0: i32) -> (i32, i32) {
    %c0_i32 = arith.constant 0 : i32
    %c0_i32_0 = arith.constant 0 : i32
    %c0_i32_1 = arith.constant 0 : i32
    return %c0_i32, %c0_i32_0 : i32, i32
  }
  func.func @transform_4(%arg0: i32) -> (i32, i32) {
    %c0_i32 = arith.constant 0 : i32
    %c0_i32_0 = arith.constant 0 : i32
    %c0_i32_1 = arith.constant 0 : i32
    return %c0_i32, %c0_i32_0 : i32, i32
  }
  func.func @transform_5(%arg0: i32) -> (i32, i32) {
    %c0_i32 = arith.constant 0 : i32
    %c0_i32_0 = arith.constant 0 : i32
    %c0_i32_1 = arith.constant 0 : i32
    return %c0_i32, %c0_i32_0 : i32, i32
  }
  func.func @transform_6(%arg0: i32) -> (i32, i32) {
    %c0_i32 = arith.constant 0 : i32
    %c0_i32_0 = arith.constant 0 : i32
    return %arg0, %c0_i32 : i32, i32
  }
}

</mosaic_0001>

<sc_bundles>
// kernel: kernel.12.cloned.1.call-start
scs
__scs_entry_jumppad:
0x0: {  	(pc) =	sbr.rel $0x88, $3  }
0x1: {  	(tag) =	ssettag $0x0;
	lr =	simm.s32 $0x1  }
0x2: {  	[smem:$0x3F97] =	sst lr;
	_ =	strace $0xD0000000  }
0x3: {  	_ = 	snop  }
0x4: {  	_ = 	snop  }
0x5: {  	_ = 	snop  }
0x6: {  	_ = 	snop  }
0x7: {  	_ = 	snop  }
__scs_overlays_trampoline_lowered:
0x8: {  	[smem:$0x3FA6] =	sst s0  }
0x9: {  	[smem:$0x3FA7] =	sst s1  }
0xa: {  	[smem:$0x3FA8] =	sst s2  }
0xb: {  	[smem:$0x3FA9] =	sst s3  }
0xc: {  	[smem:$0x3FAA] =	sst s4  }
0xd: {  	[smem:$0x3FAB] =	sst s5  }
0xe: {  	[smem:$0x3FAC] =	sst s6  }
0xf: {  	[smem:$0x3FAD] =	sst s7  }
0x10: {  	[smem:$0x3FAE] =	sst s8  }
0x11: {  	[smem:$0x3FAF] =	sst s9;
	s0 =	simm.s32 @!p0 $0x0  }
0x12: {  	s1 =	sld [smem:$0x3F95];
	s0 =	simm.s32 @p0 $0x1  }
0x13: {  	[smem:$0x3FB0] =	sst s0;
	s0 =	simm.s32 @!p1 $0x0  }
0x14: {  	s2 =	sld [smem:$0x3F94];
	s0 =	simm.s32 @p1 $0x1  }
0x15: {  	[smem:$0x3FB1] =	sst s0;
	s0 =	simm.s32 @!p2 $0x0  }
0x16: {  	s3 =	sld [smem:$0x3FDB];
	s0 =	simm.s32 @p2 $0x1  }
0x17: {  	s4 =	simm.s32 $0x1BF5;
	[smem:$0x3FB3] =	sst s0  }
0x18: {  	s0 =	sld [smem:$0x3F96];
	_ =	swait.ge [sflag:s4], $0x0  }
0x19: {  	s7 =	sld [smem:$0x3F97]  }
0x1a: {  	s8 =	sadd.s32 $0xFFFFE003, lr  }
0x1b: {  	s9 =	sadd.s32 $0xFFFFFEF7, lr;
	s5 =	simm.s32 $0xFFFFFFFF;
	p2 =	slt.u32 s8, $0xFFFFF086  }
0x1c: {  	p1 =	slt.u32 s9, $0xF7A;
	s5 =	simm.s32 @!p2 $0x0  }
0x1d: {  	s5 =	simm.s32 @p1 $0x1;
	p0 =	seq.s32 s7, s2  }
0x1e: {  	s7 =	smul.u32 @!p0 $0xF7A, s2;
	p2 =	seq.s32 @!p0 s5, $0x0  }
0x1f: {  	s9 =	smul.u32 $0xF7A, s1;
	s8 =	simm.s32 @!p0 $0x1BF5;
	p2 =	por !p2, p0  }
0x20: {  	[sflag:s8] =	ssyncset.s32 @!p0 $0xFFFFF086;
	s6 =	sadd.s32 @!p0 s3, s7;
	s7 =	simm.s32 @!p0 $0x108  }
0x21: {  	s3 =	sadd.s32 s3, s9;
	s6 =	sadd.s32 @!p0 $0x88, s6;
	s7 =	simm.s32 @p2 $0x1082  }
0x22: {  	[simem:s7], [sflag:s8] =	dma.local @!p0 [hbm:s6], $0xF7A  }
0x23: {  	s9 =	sor.u32 $0xD0000000, s2;
	s6 =	simm.s32 $0x108;
	_ =	swait.ge @!p0 [sflag:s8], $0x0  }
0x24: {  	s3 =	sadd.s32 $0x88, s3;
	s6 =	simm.s32 @!p1 $0x1082;
	[sflag:s4] =	ssyncset.s32 $0xFFFFF086  }
0x25: {  	[simem:s6], [sflag:s4] =	dma.local [hbm:s3], $0xF7A  }
0x26: {  	[smem:$0x3F97] =	sst s1;
	(tag) =	ssettag s2;
	_ =	strace s9  }
0x27: {  	s1 =	sld [smem:$0x3FA7]  }
0x28: {  	s2 =	sld [smem:$0x3FA8]  }
0x29: {  	s4 =	sld [smem:$0x3FAA]  }
0x2a: {  	p0 =	seq.s32 s5, $0x0;
	s5 =	sld [smem:$0x3FAB]  }
0x2b: {  	s6 =	sld [smem:$0x3FAC]  }
0x2c: {  	s7 =	sld [smem:$0x3FAD]  }
0x2d: {  	s3 =	simm.s32 $0x108;
	s8 =	sld [smem:$0x3FAE]  }
0x2e: {  	s3 =	simm.s32 @!p0 $0x1082;
	s9 =	sld [smem:$0x3FAF]  }
0x2f: {  	lr =	sadd.s32 s0, s3;
	s0 =	sld [smem:$0x3FA6]  }
0x30: {  	s3 =	sld [smem:$0x3FA9]  }
0x31: {  	[smem:$0x3FB2] =	sst s10  }
0x32: {  	s10 =	sld [smem:$0x3FB0];
	_ =	sdelay $0x3  }
0x33: {  	p0 =	seq.s32 s10, $0x1;
	s10 =	sld [smem:$0x3FB2];
	_ =	sdelay $0x3  }
0x34: {  	[smem:$0x3FB2] =	sst s10  }
0x35: {  	s10 =	sld [smem:$0x3FB1];
	_ =	sdelay $0x3  }
0x36: {  	p1 =	seq.s32 s10, $0x1;
	s10 =	sld [smem:$0x3FB2];
	_ =	sdelay $0x3  }
0x37: {  	[smem:$0x3FB2] =	sst s10  }
0x38: {  	s10 =	sld [smem:$0x3FB3]  }
0x39: {  	_ = 	snop;
	(pc) =	sbr.ind lr, $3  }
0x3a: {  	_ = 	snop  }
0x3b: {  	_ = 	snop  }
0x3c: {  	p2 =	seq.s32 s10, $0x1;
	s10 =	sld [smem:$0x3FB2]  }
0x3d: {  	_ =	shalt  }
0x3e: {  	_ =	shalt  }
0x3f: {  	_ =	shalt  }
0x40: {  	_ =	shalt  }
0x41: {  	_ =	shalt  }
0x42: {  	_ =	shalt  }
0x43: {  	_ =	shalt  }
0x44: {  	_ =	shalt  }
0x45: {  	_ =	shalt  }
0x46: {  	_ =	shalt  }
0x47: {  	_ =	shalt  }
0x48: {  	_ =	shalt  }
0x49: {  	_ =	shalt  }
0x4a: {  	_ =	shalt  }
0x4b: {  	_ =	shalt  }
0x4c: {  	_ =	shalt  }
0x4d: {  	_ =	shalt  }
0x4e: {  	_ =	shalt  }
0x4f: {  	_ =	shalt  }
0x50: {  	_ =	shalt  }
0x51: {  	_ =	shalt  }
0x52: {  	_ =	shalt  }
0x53: {  	_ =	shalt  }
0x54: {  	_ =	shalt  }
0x55: {  	_ =	shalt  }
0x56: {  	_ =	shalt  }
0x57: {  	_ =	shalt  }
0x58: {  	_ =	shalt  }
0x59: {  	_ =	shalt  }
0x5a: {  	_ =	shalt  }
0x5b: {  	_ =	shalt  }
0x5c: {  	_ =	shalt  }
0x5d: {  	_ =	shalt  }
0x5e: {  	_ =	shalt  }
0x5f: {  	_ =	shalt  }
0x60: {  	_ =	shalt  }
0x61: {  	_ =	shalt  }
0x62: {  	_ =	shalt  }
0x63: {  	_ =	shalt  }
0x64: {  	_ =	shalt  }
0x65: {  	_ =	shalt  }
0x66: {  	_ =	shalt  }
0x67: {  	_ =	shalt  }
0x68: {  	_ =	shalt  }
0x69: {  	_ =	shalt  }
0x6a: {  	_ =	shalt  }
0x6b: {  	_ =	shalt  }
0x6c: {  	_ =	shalt  }
0x6d: {  	_ =	shalt  }
0x6e: {  	_ =	shalt  }
0x6f: {  	_ =	shalt  }
0x70: {  	_ =	shalt  }
0x71: {  	_ =	shalt  }
0x72: {  	_ =	shalt  }
0x73: {  	_ =	shalt  }
0x74: {  	_ =	shalt  }
0x75: {  	_ =	shalt  }
0x76: {  	_ =	shalt  }
0x77: {  	_ =	shalt  }
0x78: {  	_ =	shalt  }
0x79: {  	_ =	shalt  }
0x7a: {  	_ =	shalt  }
0x7b: {  	_ =	shalt  }
0x7c: {  	_ =	shalt  }
0x7d: {  	_ =	shalt  }
0x7e: {  	_ =	shalt  }
0x7f: {  	_ =	shalt  }
0x80: {  	_ =	shalt  }
0x81: {  	_ =	shalt  }
0x82: {  	_ =	shalt  }
0x83: {  	_ =	shalt  }
0x84: {  	_ =	shalt  }
0x85: {  	_ =	shalt  }
0x86: {  	_ =	shalt  }
0x87: {  	_ =	shalt  }
.Lfunc_end0:
.L_simem_size_0:
called_computation.1_lowered:
.L_overlay_start_0:
0x88: {  	s2 =	sld [smem:$0x3FD9]  }
0x89: {  	s3 =	sld [smem:$0x3FFE];
	_ =	sdelay $0x1  }
0x8a: {  	s1 =	srdreg.scid  }
0x8b: {  	s0 =	sand.u32 $0x1, s1  }
0x8c: {  	s17 =	sshll.u32 s0, $0xA;
	s2 =	sadd.s32 s3, s2  }
0x8d: {  	s2 =	sadd.s32 s2, s17  }
0x8e: {  	[smem:$0x3FBE] =	sst s2  }
0x8f: {  	_ = 	snop  }
0x90: {  	s2 =	sld [smem:$0x3FD0];
	(tm) =	ssettm $0x1  }
0x91: {  	s18 =	sld [smem:$0x3FFB];
	_ =	sdelay $0x3  }
0x92: {  	_ =	strace s18  }
0x93: {  	s3 =	sld [smem:$0x3FFC];
	_ =	sdelay $0x3  }
0x94: {  	_ =	strace s3  }
0x95: {  	s3 =	sld [smem:$0x3FFD];
	_ =	sdelay $0x3  }
0x96: {  	_ =	strace s3  }
0x97: {  	_ =	strace $0x8FFFFFFF  }
0x98: {  	s19 =	sld [smem:$0x3FDB];
	_ =	sdelay $0x1  }
0x99: {  	s4 =	simm.s32 $_scs_section_size  }
0x9a: {  	s5 =	simm.s32 $_size__tile_overlayer_lowered;
	s6 =	simm.s32 $_tile_overlayer_lowered  }
0x9b: {  	s22 =	simm.s32 $0x1BFF;
	s21 =	sshll.u32 s6, $0x1;
	s3 =	sadd.s32 s4, s19  }
0x9c: {  	s7 =	simm.s32 $0x0;
	s20 =	sshll.u32 s5, $0x1;
	s5 =	sadd.s32 s21, s3  }
0x9d: {  	[timem:s7], [sflag:s22] =	dma.local [hbm:s5], s20  }
0x9e: {  	_ =	swait.ge [sflag:s22], s20  }
0x9f: {  	s4 =	ssub.s32 $0x0, s20;
	[sflag:s22] =	ssyncset.done $0x0  }
0xa0: {  	[sflag:s22] =	ssyncadd.s32 s4;
	_ =	sdelay $0x1  }
0xa1: {  	s23 =	simm.s32 $0x1B8B  }
0xa2: {  	_ =	swait.ge [sflag:s23], $0x1  }
0xa3: {  	[sflag:s23] =	ssyncset.done $0x0  }
0xa4: {  	s25 =	simm.s32 $0x1B8E;
	s24 =	sld [smem:$0x3FFE];
	[sflag:s23] =	ssyncadd.s32 $0xFFFFFFFF  }
0xa5: {  	s26 =	simm.s32 $execute0_lowered;
	[smem:$0x3FD2] =	sst s25  }
0xa6: {  	s5 =	sshll.u32 s26, $0x1;
	_ =	strace $0x80000049;
	[dreg:$0x1] =	wrdreg $0xFFFFFFFF  }
0xa7: {  	s28 =	simm.s32 $_size_execute0_lowered;
	s3 =	sadd.s32 s3, s5;
	[dreg:$0x0] =	wrdreg $0x0  }
0xa8: {  	s5 =	sshll.u32 s28, $0x1;
	[dreg:$0x2] =	wrdreg s3  }
0xa9: {  	[dreg:$0x3] =	wrdreg s5  }
0xaa: {  	[dreg:$0x4] =	wrdreg $0xC0  }
0xab: {  	_ =	task [dreg:s7], $0x5FFFF  }
0xac: {  	[dreg:$0x1] =	wrdreg $0xFFFFFFFF  }
0xad: {  	[dreg:$0x0] =	wrdreg $0x60  }
0xae: {  	[dreg:$0x2] =	wrdreg s24  }
0xaf: {  	[dreg:$0x3] =	wrdreg s2  }
0xb0: {  	[dreg:$0x4] =	wrdreg $0x0  }
0xb1: {  	[dreg:$0x5] =	wrdreg $0x9  }
0xb2: {  	_ =	task.clear_ibuf [dreg:s7], $0x6FFFF;
	_ =	strace $0x90000049  }
0xb3: {  	s29 =	simm.s32 $0x9;
	_ =	strace $0x8000004B  }
0xb4: {  	_ =	swait.ge [sflag:s29], $0x1  }
0xb5: {  	[sflag:s29] =	ssyncadd.s32 $0xFFFFFFFF  }
0xb6: {  	_ =	strace $0x9000004B  }
0xb7: {  	_ =	sfence  }
0xb8: {  	s30 =	sld [smem:$0x0];
	_ =	sdelay $0x2  }
0xb9: {  	s31 =	sshll.u32 s1, $0xD;
	s1 =	sshrl.u32 s1, $0x2  }
0xba: {  	s3 =	sand.u32 $0x4000, s31;
	s1 =	sadd.s32 s1, s30  }
0xbb: {  	s0 =	sor.u32 s3, s0;
	s1 =	sshll.u32 s1, $0x11  }
0xbc: {  	s0 =	sor.u32 s1, s0  }
0xbd: {  	s0 =	sadd.s32 $0x8F2B, s0  }
0xbe: {  	[sflag:s0] =	ssyncadd.remote.s32 $0x1  }
0xbf: {  	_ =	sfence.sel $0xFFFF  }
0xc0: {  	[dreg:$0x0] =	wrdreg $0xFFFFFFFF;
	(pc) =	sbr.abs _section_cstart, $3  }
0xc1: {  	[dreg:$0x1] =	wrdreg $0xFFFFFFFF  }
0xc2: {  	_ =	task.clear_ibuf [dreg:s7], $0x2FFFF;
	_ =	strace $0x9FFFFFFF  }
0xc3: {  	(tm) =	ssettm $0x7FFFFFFF  }
tec
execute0_lowered:
.L_overlay_start_1:
0x0: {  	(tag) =	ssettag $0x1  }
0x1: {  	s1 =	srdreg.scid;
	s6 =	rddreg [dreg:$0x0]  }
0x2: {  	s0 =	stileid.u32;
	s8 =	rddreg [dreg:$0x1]  }
0x3: {  	s13 =	simm.s32 $0x80;
	s14 =	simm.s32 $0x400;
	s15 =	simm.s32 $0x13C00  }
0x4: {  	s16 =	simm.s32 $0x16380;
	s17 =	simm.s32 $0x50;
	s18 =	simm.s32 $0x1A380  }
0x5: {  	s19 =	simm.s32 $0x1;
	s20 =	simm.s32 $0x13C50;
	s21 =	simm.s32 $0x1CB80  }
0x6: {  	s22 =	simm.s32 $0x2;
	s23 =	simm.s32 $0x3;
	s24 =	simm.s32 $0x13CA0  }
0x7: {  	s25 =	simm.s32 $0x16400;
	s28 =	simm.s32 $0x1A180;
	s29 =	simm.s32 $0x0  }
0x8: {  	s1 =	sand.u32 $0x1, s1;
	s2 =	sshll.u32 s0, $0x1;
	s7 =	smul.u32 $0x2780, s0  }
0x9: {  	s3 =	sshrl.u32 s0, $0x2;
	s12 =	smul.u32 $0x4F000, s0;
	s31 =	sshll.u32 s0, $0x6  }
0xa: {  	s9 =	sor.u32 s1, s2;
	s2 =	rddreg [dreg:$0x2];
	s4 =	smul.u32 $0x13C00, s3  }
0xb: {  	s3 =	simm.s32 $0x0;
	s10 =	smul.u32 $0x27800, s1;
	s1 =	ssub.s32 $0x2, s1  }
0xc: {  	s5 =	sshll.u32 s9, $0x7;
	[smem:$0x7FF] =	sst s3;
	s26 =	sshrl.u32 s1, $0x1  }
0xd: {  	s30 =	sshrl.u32 s12, $0x2;
	s9 =	sshll.u32 s9, $0xB;
	s5 =	sand.u32 $0x380, s5  }
0xe: {  	_ =	strace $0x8000004A;
	s7 =	sadd.s32 s7, s10;
	s1 =	ssub.s32 s1, s26  }
0xf: {  	s12 =	sadd.s32 s30, s2;
	s8 =	sadd.s32 s8, s9;
	s26 =	simm.s32 $0x4  }
0x10: {  	s4 =	sor.u32 s4, s5;
	s5 =	sadd.s32 $0x2A200, s6;
	s10 =	sadd.s32 s7, s6  }
0x11: {  	s4 =	sshrl.u32 s4, $0x3;
	s9 =	sadd.s32 $0x5E600, s10;
	s10 =	smax.u32 s1, $0x1  }
0x12: {  	s11 =	sadd.s32 s4, s6;
	s4 =	sadd.s32 $0x2A00, s6;
	s6 =	sor.u32 $0x1C05, s31  }
0x13: {  	s7 =	sadd.s32 $0x54800, s11;
	s11 =	sshrl.u32 s12, $0x3;
	s12 =	simm.s32 $0x5  }
.LBB2_1:
0x14: {  	[spmem:s11], [sflag:s6] =	dma.local [hbm:s5], $0x2780  }
0x15: {  	_ =	swait.ge [sflag:s12], $0x2780  }
0x16: {  	[sflag:s12] =	ssyncset.done $0x0  }
0x17: {  	[sflag:s12] =	ssyncadd.s32 $0xFFFFD880  }
0x18: {  	[tilespmem:s15], [sflag:$0x5] =	stream.strided.gather [hbm4b:s7+s13], $0x2780, s14, s13, $0x38;
	[tilespmem:$0x1F380] =	vst v63  }
0x19: {  	_ =	swait.ge [sflag:s12], $0x2780  }
0x1a: {  	[sflag:s12] =	ssyncset.done $0x0  }
0x1b: {  	[sflag:s12] =	ssyncadd.s32 $0xFFFFD880  }
0x1c: {  	[tilespmem:s16], [sflag:$0x5] =	stream.linear.gather [hbm4b:s8+s3], $0x3E80, $0x38;
	[tilespmem:$0x1F380] =	vst v63  }
0x1d: {  	_ =	swait.ge [sflag:s12], $0x3E80  }
0x1e: {  	[sflag:s12] =	ssyncset.done $0x0  }
0x1f: {  	[sflag:s12] =	ssyncadd.s32 $0xFFFFC180  }
0x20: {  	[bflag:$0x0] =	sbarrier.arrive $0xFFFF  }
0x21: {  	[tilespmem:s18], [sflag:$0x1] =	stream.indirect.gather [hbm4b:s4+s17], $0x80, s15, s17, $0xb8;
	[tilespmem:$0x1F380] =	vst v63  }
0x22: {  	_ =	swait.ge [sflag:s19], $0x2800  }
0x23: {  	[sflag:s19] =	ssyncset.done $0x0  }
0x24: {  	[sflag:s19] =	ssyncadd.s32 $0xFFFFD800  }
0x25: {  	[tilespmem:s21], [sflag:$0x2] =	stream.indirect.gather [hbm4b:s4+s17], $0x80, s20, s17, $0xb8;
	[tilespmem:$0x1F380] =	vst v63  }
0x26: {  	_ = 	snop  }
0x27: {  	[spmem:s2] =	stream.indirect.scatter.add.f32 [tilespmem:s18], [sflag:$0x3], $0x80, s16, s17, $0xb8;
	[tilespmem:$0x1F380] =	vst v63  }
0x28: {  	_ =	swait.ge [sflag:s22], $0x2800  }
0x29: {  	[sflag:s22] =	ssyncset.done $0x0  }
0x2a: {  	[sflag:s22] =	ssyncadd.s32 $0xFFFFD800  }
0x2b: {  	_ =	swait.ge [sflag:s23], $0x2800  }
0x2c: {  	[sflag:s23] =	ssyncset.done $0x0  }
0x2d: {  	[sflag:s23] =	ssyncadd.s32 $0xFFFFD800  }
0x2e: {  	[tilespmem:s18], [sflag:$0x1] =	stream.indirect.gather [hbm4b:s4+s17], $0x80, s24, s17, $0xb8;
	[tilespmem:$0x1F380] =	vst v63  }
0x2f: {  	_ = 	snop  }
0x30: {  	[spmem:s2] =	stream.indirect.scatter.add.f32 [tilespmem:s21], [sflag:$0x4], $0x80, s25, s17, $0xb8;
	[tilespmem:$0x1F380] =	vst v63  }
0x31: {  	_ =	swait.ge [sflag:s19], $0x2800  }
0x32: {  	[sflag:s19] =	ssyncset.done $0x0  }
0x33: {  	[sflag:s19] =	ssyncadd.s32 $0xFFFFD800  }
0x34: {  	_ =	swait.ge [sflag:s26], $0x2800  }
0x35: {  	[sflag:s26] =	ssyncset.done $0x0  }
0x36: {  	s1 =	simm.s32 $0x13CF0;
	[sflag:s26] =	ssyncadd.s32 $0xFFFFD800  }
0x37: {  	[tilespmem:s21], [sflag:$0x2] =	stream.indirect.gather [hbm4b:s4+s17], $0x80, s1, s17, $0xb8;
	[tilespmem:$0x1F380] =	vst v63  }
0x38: {  	s0 =	simm.s32 $0x16480  }
0x39: {  	[spmem:s2] =	stream.indirect.scatter.add.f32 [tilespmem:s18], [sflag:$0x3], $0x80, s0, s17, $0xb8;
	[tilespmem:$0x1F380] =	vst v63  }
0x3a: {  	_ =	swait.ge [sflag:s22], $0x2800  }
0x3b: {  	[sflag:s22] =	ssyncset.done $0x0  }
0x3c: {  	[sflag:s22] =	ssyncadd.s32 $0xFFFFD800  }
0x3d: {  	_ =	swait.ge [sflag:s23], $0x2800  }
0x3e: {  	s30 =	simm.s32 $0xFFFF6A00;
	s31 =	simm.s32 $0x16580;
	[sflag:s23] =	ssyncset.done $0x0  }
0x3f: {  	s1 =	simm.s32 $0x16500;
	s0 =	simm.s32 $0x13D40;
	[sflag:s23] =	ssyncadd.s32 $0xFFFFD800  }
0x40: {  	[tilespmem:s18], [sflag:$0x1] =	stream.indirect.gather [hbm4b:s4+s17], $0x80, s0, s17, $0xb8;
	[tilespmem:$0x1F380] =	vst v63  }
.LBB2_2:
0x41: {  	[spmem:s2] =	stream.indirect.scatter.add.f32 [tilespmem:s21], [sflag:$0x4], $0x80, s1, s17, $0xb8;
	[tilespmem:$0x1F380] =	vst v63  }
0x42: {  	s1 =	smov.u32 s30  }
0x43: {  	p0 =	sne.s32 s30, $0xFFFFFD80;
	s30 =	sadd.s32 $0x280, s30;
	_ =	swait.ge [sflag:s19], $0x2800  }
0x44: {  	[sflag:s19] =	ssyncset.done $0x0  }
0x45: {  	[sflag:s19] =	ssyncadd.s32 $0xFFFFD800  }
0x46: {  	_ =	swait.ge [sflag:s26], $0x2800  }
0x47: {  	s1 =	sshra.s32 s1, $0x2;
	[sflag:s26] =	ssyncset.done $0x0  }
0x48: {  	s0 =	sadd.s32 $0x16310, s1;
	[sflag:s26] =	ssyncadd.s32 $0xFFFFD800  }
0x49: {  	[tilespmem:s21], [sflag:$0x2] =	stream.indirect.gather [hbm4b:s4+s17], $0x80, s0, s17, $0xb8;
	[tilespmem:$0x1F380] =	vst v63  }
0x4a: {  	_ = 	snop  }
0x4b: {  	[spmem:s2] =	stream.indirect.scatter.add.f32 [tilespmem:s18], [sflag:$0x3], $0x80, s31, s17, $0xb8;
	[tilespmem:$0x1F380] =	vst v63  }
0x4c: {  	_ =	swait.ge [sflag:s22], $0x2800  }
0x4d: {  	[sflag:s22] =	ssyncset.done $0x0  }
0x4e: {  	[sflag:s22] =	ssyncadd.s32 $0xFFFFD800  }
.Ltmp0:
0x4f: {  	_ =	swait.ge [sflag:s23], $0x2800;
	(pc) =	sbr.rel @p0 .LBB2_2-.Ltmp0, $4  }
0x50: {  	[sflag:s23] =	ssyncset.done $0x0  }
0x51: {  	s0 =	sadd.s32 $0x16360, s1;
	[sflag:s23] =	ssyncadd.s32 $0xFFFFD800  }
0x52: {  	[tilespmem:s18], [sflag:$0x1] =	stream.indirect.gather [hbm4b:s4+s17], $0x80, s0, s17, $0xb8;
	[tilespmem:$0x1F380] =	vst v63  }
0x53: {  	s1 =	sadd.s32 $0x80, s31;
	s31 =	sadd.s32 $0x100, s31  }
0x54: {  	[spmem:s2] =	stream.indirect.scatter.add.f32 [tilespmem:s21], [sflag:$0x4], $0x80, s1, s17, $0xb8;
	[tilespmem:$0x1F380] =	vst v63  }
0x55: {  	_ =	swait.ge [sflag:s26], $0x2800  }
0x56: {  	[sflag:s26] =	ssyncset.done $0x0  }
0x57: {  	[sflag:s26] =	ssyncadd.s32 $0xFFFFD800  }
0x58: {  	_ =	swait.ge [sflag:s19], $0x2800  }
0x59: {  	[sflag:s19] =	ssyncset.done $0x0  }
0x5a: {  	[sflag:s19] =	ssyncadd.s32 $0xFFFFD800  }
0x5b: {  	[spmem:s2] =	stream.indirect.scatter.add.f32 [tilespmem:s18], [sflag:$0x3], $0x80, s28, s17, $0xb8;
	[tilespmem:$0x1F380] =	vst v63  }
0x5c: {  	_ =	swait.ge [sflag:s23], $0x2800  }
0x5d: {  	s29 =	sadd.s32 $0x1, s29;
	[sflag:s23] =	ssyncset.done $0x0  }
0x5e: {  	p0 =	sne.s32 s29, s10;
	[sflag:s23] =	ssyncadd.s32 $0xFFFFD800  }
.Ltmp1:
0x5f: {  	[bflag:$0x0] =	sbarrier.arrive $0xFFFF;
	(pc) =	sbr.rel @p0 .LBB2_1-.Ltmp1, $4  }
0x60: {  	[hbm:s9], [sflag:s6] =	dma.local [spmem:s11], $0x2780  }
0x61: {  	_ =	swait.ge [sflag:s12], $0x2780  }
0x62: {  	[sflag:s12] =	ssyncset.done $0x0  }
0x63: {  	[sflag:s12] =	ssyncadd.s32 $0xFFFFD880  }
0x64: {  	_ =	sfence.sel $0x180000  }
0x65: {  	[bflag:$0x0] =	sbarrier.arrive $0xFFFF  }
0x66: {  	_ =	strace $0x9000004A  }
0x67: {  	s0 =	stileid.u32;
	[bflag:$0x2] =	sbarrier.arrive $0xFFFF  }
0x68: {  	p0 =	sne.s32 s0, $0x0;
	s0 =	rddreg [dreg:$0x3]  }
0x69: {  	s0 =	sadd.s32 @!p0 $0x100000, s0  }
0x6a: {  	[sflag:s0] =	ssyncadd.tile.s32 @!p0 $0x1;
	_ =	shalt  }
.Lfunc_end2:
_tile_overlayer_lowered:
.L_overlay_start_2:
0x6b: {  	(tag) =	ssettag $0x2  }
0x6c: {  	s0 =	rddreg [dreg:$0x0];
	s2 =	stileid.u32  }
0x6d: {  	s1 =	rddreg [dreg:$0x1];
	p0 =	sne.s32 s2, $0x0  }
0x6e: {  	s3 =	rddreg [dreg:$0x2];
	[bflag:$0x3] =	sbarrier.arrive $0xFFFF;
	s2 =	simm.s32 @!p0 $0x1C05  }
0x6f: {  	[timem:s3], [sflag:s2] =	dma.local @!p0 [hbm:s0], s1  }
0x70: {  	s0 =	simm.s32 @!p0 $0x5  }
0x71: {  	_ =	swait.ge @!p0 [sflag:s0], s1  }
0x72: {  	s1 =	ssub.s32 @!p0 $0x0, s1;
	[sflag:s0] =	ssyncset.done @!p0 $0x0  }
0x73: {  	[sflag:s0] =	ssyncadd.s32 @!p0 s1  }
0x74: {  	[bflag:$0x3] =	sbarrier.arrive $0xFFFF  }
0x75: {  	_ =	shalt  }

// kernel: kernel.15.cloned.1.call-start
scs
__scs_entry_jumppad:
0x0: {  	(pc) =	sbr.rel $0x88, $3  }
0x1: {  	(tag) =	ssettag $0x0;
	lr =	simm.s32 $0x1  }
0x2: {  	[smem:$0x3F97] =	sst lr;
	_ =	strace $0xD0000000  }
0x3: {  	_ = 	snop  }
0x4: {  	_ = 	snop  }
0x5: {  	_ = 	snop  }
0x6: {  	_ = 	snop  }
0x7: {  	_ = 	snop  }
__scs_overlays_trampoline_lowered:
0x8: {  	[smem:$0x3FA6] =	sst s0  }
0x9: {  	[smem:$0x3FA7] =	sst s1  }
0xa: {  	[smem:$0x3FA8] =	sst s2  }
0xb: {  	[smem:$0x3FA9] =	sst s3  }
0xc: {  	[smem:$0x3FAA] =	sst s4  }
0xd: {  	[smem:$0x3FAB] =	sst s5  }
0xe: {  	[smem:$0x3FAC] =	sst s6  }
0xf: {  	[smem:$0x3FAD] =	sst s7  }
0x10: {  	[smem:$0x3FAE] =	sst s8  }
0x11: {  	[smem:$0x3FAF] =	sst s9;
	s0 =	simm.s32 @!p0 $0x0  }
0x12: {  	s1 =	sld [smem:$0x3F95];
	s0 =	simm.s32 @p0 $0x1  }
0x13: {  	[smem:$0x3FB0] =	sst s0;
	s0 =	simm.s32 @!p1 $0x0  }
0x14: {  	s2 =	sld [smem:$0x3F94];
	s0 =	simm.s32 @p1 $0x1  }
0x15: {  	[smem:$0x3FB1] =	sst s0;
	s0 =	simm.s32 @!p2 $0x0  }
0x16: {  	s3 =	sld [smem:$0x3FDB];
	s0 =	simm.s32 @p2 $0x1  }
0x17: {  	s4 =	simm.s32 $0x1BF5;
	[smem:$0x3FB3] =	sst s0  }
0x18: {  	s0 =	sld [smem:$0x3F96];
	_ =	swait.ge [sflag:s4], $0x0  }
0x19: {  	s7 =	sld [smem:$0x3F97]  }
0x1a: {  	s8 =	sadd.s32 $0xFFFFE003, lr  }
0x1b: {  	s9 =	sadd.s32 $0xFFFFFEF7, lr;
	s5 =	simm.s32 $0xFFFFFFFF;
	p2 =	slt.u32 s8, $0xFFFFF086  }
0x1c: {  	p1 =	slt.u32 s9, $0xF7A;
	s5 =	simm.s32 @!p2 $0x0  }
0x1d: {  	s5 =	simm.s32 @p1 $0x1;
	p0 =	seq.s32 s7, s2  }
0x1e: {  	s7 =	smul.u32 @!p0 $0xF7A, s2;
	p2 =	seq.s32 @!p0 s5, $0x0  }
0x1f: {  	s9 =	smul.u32 $0xF7A, s1;
	s8 =	simm.s32 @!p0 $0x1BF5;
	p2 =	por !p2, p0  }
0x20: {  	[sflag:s8] =	ssyncset.s32 @!p0 $0xFFFFF086;
	s6 =	sadd.s32 @!p0 s3, s7;
	s7 =	simm.s32 @!p0 $0x108  }
0x21: {  	s3 =	sadd.s32 s3, s9;
	s6 =	sadd.s32 @!p0 $0x88, s6;
	s7 =	simm.s32 @p2 $0x1082  }
0x22: {  	[simem:s7], [sflag:s8] =	dma.local @!p0 [hbm:s6], $0xF7A  }
0x23: {  	s9 =	sor.u32 $0xD0000000, s2;
	s6 =	simm.s32 $0x108;
	_ =	swait.ge @!p0 [sflag:s8], $0x0  }
0x24: {  	s3 =	sadd.s32 $0x88, s3;
	s6 =	simm.s32 @!p1 $0x1082;
	[sflag:s4] =	ssyncset.s32 $0xFFFFF086  }
0x25: {  	[simem:s6], [sflag:s4] =	dma.local [hbm:s3], $0xF7A  }
0x26: {  	[smem:$0x3F97] =	sst s1;
	(tag) =	ssettag s2;
	_ =	strace s9  }
0x27: {  	s1 =	sld [smem:$0x3FA7]  }
0x28: {  	s2 =	sld [smem:$0x3FA8]  }
0x29: {  	s4 =	sld [smem:$0x3FAA]  }
0x2a: {  	p0 =	seq.s32 s5, $0x0;
	s5 =	sld [smem:$0x3FAB]  }
0x2b: {  	s6 =	sld [smem:$0x3FAC]  }
0x2c: {  	s7 =	sld [smem:$0x3FAD]  }
0x2d: {  	s3 =	simm.s32 $0x108;
	s8 =	sld [smem:$0x3FAE]  }
0x2e: {  	s3 =	simm.s32 @!p0 $0x1082;
	s9 =	sld [smem:$0x3FAF]  }
0x2f: {  	lr =	sadd.s32 s0, s3;
	s0 =	sld [smem:$0x3FA6]  }
0x30: {  	s3 =	sld [smem:$0x3FA9]  }
0x31: {  	[smem:$0x3FB2] =	sst s10  }
0x32: {  	s10 =	sld [smem:$0x3FB0];
	_ =	sdelay $0x3  }
0x33: {  	p0 =	seq.s32 s10, $0x1;
	s10 =	sld [smem:$0x3FB2];
	_ =	sdelay $0x3  }
0x34: {  	[smem:$0x3FB2] =	sst s10  }
0x35: {  	s10 =	sld [smem:$0x3FB1];
	_ =	sdelay $0x3  }
0x36: {  	p1 =	seq.s32 s10, $0x1;
	s10 =	sld [smem:$0x3FB2];
	_ =	sdelay $0x3  }
0x37: {  	[smem:$0x3FB2] =	sst s10  }
0x38: {  	s10 =	sld [smem:$0x3FB3]  }
0x39: {  	_ = 	snop;
	(pc) =	sbr.ind lr, $3  }
0x3a: {  	_ = 	snop  }
0x3b: {  	_ = 	snop  }
0x3c: {  	p2 =	seq.s32 s10, $0x1;
	s10 =	sld [smem:$0x3FB2]  }
0x3d: {  	_ =	shalt  }
0x3e: {  	_ =	shalt  }
0x3f: {  	_ =	shalt  }
0x40: {  	_ =	shalt  }
0x41: {  	_ =	shalt  }
0x42: {  	_ =	shalt  }
0x43: {  	_ =	shalt  }
0x44: {  	_ =	shalt  }
0x45: {  	_ =	shalt  }
0x46: {  	_ =	shalt  }
0x47: {  	_ =	shalt  }
0x48: {  	_ =	shalt  }
0x49: {  	_ =	shalt  }
0x4a: {  	_ =	shalt  }
0x4b: {  	_ =	shalt  }
0x4c: {  	_ =	shalt  }
0x4d: {  	_ =	shalt  }
0x4e: {  	_ =	shalt  }
0x4f: {  	_ =	shalt  }
0x50: {  	_ =	shalt  }
0x51: {  	_ =	shalt  }
0x52: {  	_ =	shalt  }
0x53: {  	_ =	shalt  }
0x54: {  	_ =	shalt  }
0x55: {  	_ =	shalt  }
0x56: {  	_ =	shalt  }
0x57: {  	_ =	shalt  }
0x58: {  	_ =	shalt  }
0x59: {  	_ =	shalt  }
0x5a: {  	_ =	shalt  }
0x5b: {  	_ =	shalt  }
0x5c: {  	_ =	shalt  }
0x5d: {  	_ =	shalt  }
0x5e: {  	_ =	shalt  }
0x5f: {  	_ =	shalt  }
0x60: {  	_ =	shalt  }
0x61: {  	_ =	shalt  }
0x62: {  	_ =	shalt  }
0x63: {  	_ =	shalt  }
0x64: {  	_ =	shalt  }
0x65: {  	_ =	shalt  }
0x66: {  	_ =	shalt  }
0x67: {  	_ =	shalt  }
0x68: {  	_ =	shalt  }
0x69: {  	_ =	shalt  }
0x6a: {  	_ =	shalt  }
0x6b: {  	_ =	shalt  }
0x6c: {  	_ =	shalt  }
0x6d: {  	_ =	shalt  }
0x6e: {  	_ =	shalt  }
0x6f: {  	_ =	shalt  }
0x70: {  	_ =	shalt  }
0x71: {  	_ =	shalt  }
0x72: {  	_ =	shalt  }
0x73: {  	_ =	shalt  }
0x74: {  	_ =	shalt  }
0x75: {  	_ =	shalt  }
0x76: {  	_ =	shalt  }
0x77: {  	_ =	shalt  }
0x78: {  	_ =	shalt  }
0x79: {  	_ =	shalt  }
0x7a: {  	_ =	shalt  }
0x7b: {  	_ =	shalt  }
0x7c: {  	_ =	shalt  }
0x7d: {  	_ =	shalt  }
0x7e: {  	_ =	shalt  }
0x7f: {  	_ =	shalt  }
0x80: {  	_ =	shalt  }
0x81: {  	_ =	shalt  }
0x82: {  	_ =	shalt  }
0x83: {  	_ =	shalt  }
0x84: {  	_ =	shalt  }
0x85: {  	_ =	shalt  }
0x86: {  	_ =	shalt  }
0x87: {  	_ =	shalt  }
.Lfunc_end0:
.L_simem_size_0:
called_computation.2_lowered:
.L_overlay_start_0:
0x88: {  	s2 =	sld [smem:$0x3FD9]  }
0x89: {  	s3 =	sld [smem:$0x3FFE];
	_ =	sdelay $0x1  }
0x8a: {  	s1 =	srdreg.scid  }
0x8b: {  	s0 =	sand.u32 $0x1, s1  }
0x8c: {  	s16 =	sshll.u32 s0, $0xA;
	s2 =	sadd.s32 s3, s2  }
0x8d: {  	s2 =	sadd.s32 s2, s16  }
0x8e: {  	[smem:$0x3FBE] =	sst s2  }
0x8f: {  	_ = 	snop  }
0x90: {  	(tm) =	ssettm $0x1  }
0x91: {  	s17 =	sld [smem:$0x3FFB];
	_ =	sdelay $0x3  }
0x92: {  	_ =	strace s17  }
0x93: {  	s2 =	sld [smem:$0x3FFC];
	_ =	sdelay $0x3  }
0x94: {  	_ =	strace s2  }
0x95: {  	s2 =	sld [smem:$0x3FFD];
	_ =	sdelay $0x3  }
0x96: {  	_ =	strace s2  }
0x97: {  	_ =	strace $0x8FFFFFFF  }
0x98: {  	s18 =	sld [smem:$0x3FDB];
	_ =	sdelay $0x1  }
0x99: {  	s19 =	simm.s32 $_scs_section_size  }
0x9a: {  	s4 =	simm.s32 $_size__tile_overlayer_lowered;
	s5 =	simm.s32 $_tile_overlayer_lowered  }
0x9b: {  	s22 =	simm.s32 $0x1BFF;
	s21 =	sshll.u32 s5, $0x1;
	s2 =	sadd.s32 s19, s18  }
0x9c: {  	s6 =	simm.s32 $0x0;
	s20 =	sshll.u32 s4, $0x1;
	s4 =	sadd.s32 s21, s2  }
0x9d: {  	[timem:s6], [sflag:s22] =	dma.local [hbm:s4], s20  }
0x9e: {  	_ =	swait.ge [sflag:s22], s20  }
0x9f: {  	s3 =	ssub.s32 $0x0, s20;
	[sflag:s22] =	ssyncset.done $0x0  }
0xa0: {  	[sflag:s22] =	ssyncadd.s32 s3;
	_ =	sdelay $0x1  }
0xa1: {  	s23 =	simm.s32 $0x1B8B  }
0xa2: {  	_ =	swait.ge [sflag:s23], $0x1  }
0xa3: {  	[sflag:s23] =	ssyncset.done $0x0  }
0xa4: {  	s25 =	simm.s32 $0x1B8E;
	s24 =	sld [smem:$0x3FFE];
	[sflag:s23] =	ssyncadd.s32 $0xFFFFFFFF  }
0xa5: {  	s26 =	simm.s32 $execute0_lowered;
	[smem:$0x3FD2] =	sst s25  }
0xa6: {  	s4 =	sshll.u32 s26, $0x1;
	_ =	strace $0x8000004C;
	[dreg:$0x1] =	wrdreg $0xFFFFFFFF  }
0xa7: {  	s28 =	simm.s32 $_size_execute0_lowered;
	s2 =	sadd.s32 s2, s4;
	[dreg:$0x0] =	wrdreg $0x0  }
0xa8: {  	s4 =	sshll.u32 s28, $0x1;
	[dreg:$0x2] =	wrdreg s2  }
0xa9: {  	[dreg:$0x3] =	wrdreg s4  }
0xaa: {  	[dreg:$0x4] =	wrdreg $0xC0  }
0xab: {  	_ =	task [dreg:s6], $0x5FFFF  }
0xac: {  	[dreg:$0x1] =	wrdreg $0xFFFFFFFF  }
0xad: {  	[dreg:$0x0] =	wrdreg $0x60  }
0xae: {  	[dreg:$0x2] =	wrdreg s24  }
0xaf: {  	[dreg:$0x3] =	wrdreg $0x9  }
0xb0: {  	_ =	task.clear_ibuf [dreg:s6], $0x4FFFF;
	_ =	strace $0x9000004C  }
0xb1: {  	s29 =	simm.s32 $0x9;
	_ =	strace $0x8000004E  }
0xb2: {  	_ =	swait.ge [sflag:s29], $0x1  }
0xb3: {  	[sflag:s29] =	ssyncadd.s32 $0xFFFFFFFF  }
0xb4: {  	_ =	strace $0x9000004E  }
0xb5: {  	_ =	sfence  }
0xb6: {  	s30 =	sld [smem:$0x0];
	_ =	sdelay $0x2  }
0xb7: {  	s31 =	sshll.u32 s1, $0xD;
	s1 =	sshrl.u32 s1, $0x2  }
0xb8: {  	s3 =	sand.u32 $0x4000, s31;
	s1 =	sadd.s32 s1, s30  }
0xb9: {  	s0 =	sor.u32 s3, s0;
	s1 =	sshll.u32 s1, $0x11  }
0xba: {  	s0 =	sor.u32 s1, s0  }
0xbb: {  	s0 =	sadd.s32 $0x8F2B, s0  }
0xbc: {  	[sflag:s0] =	ssyncadd.remote.s32 $0x1  }
0xbd: {  	_ =	sfence.sel $0xFFFF  }
0xbe: {  	[dreg:$0x0] =	wrdreg $0xFFFFFFFF;
	(pc) =	sbr.abs _section_cstart, $3  }
0xbf: {  	[dreg:$0x1] =	wrdreg $0xFFFFFFFF  }
0xc0: {  	_ =	task.clear_ibuf [dreg:s6], $0x2FFFF;
	_ =	strace $0x9FFFFFFF  }
0xc1: {  	(tm) =	ssettm $0x7FFFFFFF  }
tec
execute0_lowered:
.L_overlay_start_1:
0x0: {  	(tag) =	ssettag $0x1  }
0x1: {  	s1 =	srdreg.scid;
	s0 =	stileid.u32  }
0x2: {  	s5 =	rddreg [dreg:$0x0];
	s2 =	simm.s32 $0x0;
	s13 =	simm.s32 $0x7  }
0x3: {  	s14 =	simm.s32 $0x2780;
	s15 =	simm.s32 $0x50;
	s16 =	simm.s32 $0x4F00  }
0x4: {  	s17 =	simm.s32 $0x1;
	s18 =	simm.s32 $0x7700;
	s19 =	simm.s32 $0x3  }
0x5: {  	s20 =	simm.s32 $0x2;
	s21 =	simm.s32 $0x27D0;
	s22 =	simm.s32 $0x5  }
0x6: {  	s28 =	simm.s32 $0x0;
	s6 =	sand.u32 $0x1, s1;
	s23 =	sshll.u32 s0, $0x1  }
0x7: {  	s24 =	sshrl.u32 s0, $0x2;
	[smem:$0x7FF] =	sst s2;
	s12 =	smul.u32 $0x4E200, s0  }
0x8: {  	s11 =	sadd.s32 $0x5E600, s5;
	s4 =	sor.u32 s6, s23;
	s3 =	smul.u32 $0x13C00, s24  }
0x9: {  	_ =	strace $0x8000004D;
	s8 =	ssub.s32 $0x2, s6;
	s31 =	smul.u32 $0x27100, s6  }
0xa: {  	s23 =	simm.s32 $0xA0;
	s24 =	simm.s32 $0x4;
	s10 =	smul.u32 $0x138800, s4  }
0xb: {  	s25 =	sshll.u32 s4, $0x7;
	s9 =	sshrl.u32 s8, $0x1;
	s29 =	smul.u32 $0x27100, s4  }
0xc: {  	s7 =	sand.u32 $0x380, s25;
	s8 =	ssub.s32 s8, s9;
	s25 =	simm.s32 $0x6  }
0xd: {  	s3 =	sor.u32 s3, s7;
	s10 =	sshrl.u32 s10, $0x3;
	s7 =	sadd.s32 s11, s29  }
0xe: {  	s8 =	smax.u32 s8, $0x1;
	s3 =	sshrl.u32 s3, $0x3;
	s30 =	sadd.s32 s11, s10  }
0xf: {  	s11 =	sadd.s32 s12, s11;
	s9 =	sadd.s32 $0x500, s7;
	s12 =	simm.s32 $0x400  }
0x10: {  	s26 =	sadd.s32 s3, s5;
	s3 =	sadd.s32 $0x2A00, s5;
	s6 =	sadd.s32 $0x26C00, s30  }
0x11: {  	s10 =	sadd.s32 s31, s11;
	s11 =	simm.s32 $0x80;
	s4 =	sadd.s32 $0x54800, s26  }
0x12: {  	s5 =	sadd.s32 $0x2CA00, s26;
	s10 =	sadd.s32 $0xF00, s10;
	s26 =	simm.s32 $0x4E40  }
.LBB2_1:
0x13: {  	[tilespmem:s2], [sflag:$0x7] =	stream.strided.gather [hbm4b:s4+s11], $0x2780, s12, s11, $0x38;
	[tilespmem:$0x9F00] =	vst v63  }
0x14: {  	_ =	swait.ge [sflag:s13], $0x2780  }
0x15: {  	[sflag:s13] =	ssyncset.done $0x0  }
0x16: {  	[sflag:s13] =	ssyncadd.s32 $0xFFFFD880  }
0x17: {  	[tilespmem:s14], [sflag:$0x7] =	stream.strided.gather [hbm4b:s5+s11], $0x2780, s12, s11, $0x38;
	[tilespmem:$0x9F00] =	vst v63  }
0x18: {  	_ =	swait.ge [sflag:s13], $0x2780  }
0x19: {  	[sflag:s13] =	ssyncset.done $0x0  }
0x1a: {  	[sflag:s13] =	ssyncadd.s32 $0xFFFFD880  }
0x1b: {  	[tilespmem:s16], [sflag:$0x1] =	stream.indirect.gather [hbm4b:s3+s15], $0x80, s2, s15, $0xb8;
	[tilespmem:$0x9F00] =	vst v63  }
0x1c: {  	_ =	swait.ge [sflag:s17], $0x2800  }
0x1d: {  	[sflag:s17] =	ssyncset.done $0x0  }
0x1e: {  	[sflag:s17] =	ssyncadd.s32 $0xFFFFD800  }
0x1f: {  	[tilespmem:s16], [sflag:$0x3] =	stream.indirect.gather.add.f32 [hbm:s3], $0x80, s14, s15, $0xb8;
	[tilespmem:$0x9F00] =	vst v63  }
0x20: {  	_ = 	snop  }
0x21: {  	[tilespmem:s18], [sflag:$0x2] =	stream.indirect.gather [hbm4b:s3+s15], $0x80, s15, s15, $0xb8;
	[tilespmem:$0x9F00] =	vst v63  }
0x22: {  	_ =	swait.ge [sflag:s19], $0x2800  }
0x23: {  	[sflag:s19] =	ssyncset.done $0x0  }
0x24: {  	[sflag:s19] =	ssyncadd.s32 $0xFFFFD800  }
0x25: {  	[hbm4b:s7+s2] =	stream.linear.scatter [tilespmem:s16], [sflag:$0x5], $0x2800, $0x38;
	[tilespmem:$0x9F00] =	vst v63  }
0x26: {  	_ =	swait.ge [sflag:s20], $0x2800  }
0x27: {  	[sflag:s20] =	ssyncset.done $0x0  }
0x28: {  	[sflag:s20] =	ssyncadd.s32 $0xFFFFD800  }
0x29: {  	[tilespmem:s18], [sflag:$0x4] =	stream.indirect.gather.add.f32 [hbm:s3], $0x80, s21, s15, $0xb8;
	[tilespmem:$0x9F00] =	vst v63  }
0x2a: {  	_ =	swait.ge [sflag:s22], $0x2800  }
0x2b: {  	[sflag:s22] =	ssyncset.done $0x0  }
0x2c: {  	[sflag:s22] =	ssyncadd.s32 $0xFFFFD800  }
0x2d: {  	[tilespmem:s16], [sflag:$0x1] =	stream.indirect.gather [hbm4b:s3+s15], $0x80, s23, s15, $0xb8;
	[tilespmem:$0x9F00] =	vst v63  }
0x2e: {  	_ =	swait.ge [sflag:s24], $0x2800  }
0x2f: {  	[sflag:s24] =	ssyncset.done $0x0  }
0x30: {  	[sflag:s24] =	ssyncadd.s32 $0xFFFFD800  }
0x31: {  	[hbm4b:s9+s2] =	stream.linear.scatter [tilespmem:s18], [sflag:$0x6], $0x2800, $0x38;
	[tilespmem:$0x9F00] =	vst v63  }
0x32: {  	_ =	swait.ge [sflag:s17], $0x2800  }
0x33: {  	[sflag:s17] =	ssyncset.done $0x0  }
0x34: {  	s29 =	simm.s32 $0x2820;
	[sflag:s17] =	ssyncadd.s32 $0xFFFFD800  }
0x35: {  	[tilespmem:s16], [sflag:$0x3] =	stream.indirect.gather.add.f32 [hbm:s3], $0x80, s29, s15, $0xb8;
	[tilespmem:$0x9F00] =	vst v63  }
0x36: {  	_ =	swait.ge [sflag:s25], $0x2800  }
0x37: {  	[sflag:s25] =	ssyncset.done $0x0  }
0x38: {  	s29 =	simm.s32 $0xF0;
	[sflag:s25] =	ssyncadd.s32 $0xFFFFD800  }
0x39: {  	[tilespmem:s18], [sflag:$0x2] =	stream.indirect.gather [hbm4b:s3+s15], $0x80, s29, s15, $0xb8;
	[tilespmem:$0x9F00] =	vst v63  }
0x3a: {  	_ =	swait.ge [sflag:s19], $0x2800  }
0x3b: {  	[sflag:s19] =	ssyncset.done $0x0  }
0x3c: {  	s29 =	sadd.s32 $0xFFFFFB00, s10;
	[sflag:s19] =	ssyncadd.s32 $0xFFFFD800  }
0x3d: {  	[hbm4b:s29+s2] =	stream.linear.scatter [tilespmem:s16], [sflag:$0x5], $0x2800, $0x38;
	[tilespmem:$0x9F00] =	vst v63  }
0x3e: {  	_ =	swait.ge [sflag:s20], $0x2800  }
0x3f: {  	[sflag:s20] =	ssyncset.done $0x0  }
0x40: {  	s29 =	simm.s32 $0x2870;
	[sflag:s20] =	ssyncadd.s32 $0xFFFFD800  }
0x41: {  	[tilespmem:s18], [sflag:$0x4] =	stream.indirect.gather.add.f32 [hbm:s3], $0x80, s29, s15, $0xb8;
	[tilespmem:$0x9F00] =	vst v63  }
0x42: {  	_ =	swait.ge [sflag:s22], $0x2800  }
0x43: {  	[sflag:s22] =	ssyncset.done $0x0  }
0x44: {  	s29 =	simm.s32 $0x140;
	[sflag:s22] =	ssyncadd.s32 $0xFFFFD800  }
0x45: {  	[tilespmem:s16], [sflag:$0x1] =	stream.indirect.gather [hbm4b:s3+s15], $0x80, s29, s15, $0xb8;
	[tilespmem:$0x9F00] =	vst v63  }
0x46: {  	_ =	swait.ge [sflag:s24], $0x2800  }
0x47: {  	s30 =	sadd.s32 $0xA00, s10;
	[sflag:s24] =	ssyncset.done $0x0  }
0x48: {  	s31 =	smov.u32 s10;
	s29 =	simm.s32 $0x280;
	[sflag:s24] =	ssyncadd.s32 $0xFFFFD800  }
.LBB2_2:
0x49: {  	[hbm4b:s31+s2] =	stream.linear.scatter [tilespmem:s18], [sflag:$0x6], $0x2800, $0x38;
	[tilespmem:$0x9F00] =	vst v63  }
0x4a: {  	s1 =	smov.u32 s29;
	s31 =	smov.u32 s30  }
0x4b: {  	p0 =	sne.s32 s29, $0x9600;
	s29 =	sadd.s32 $0x280, s29;
	_ =	swait.ge [sflag:s17], $0x2800  }
0x4c: {  	s1 =	sshra.s32 s1, $0x2;
	[sflag:s17] =	ssyncset.done $0x0  }
0x4d: {  	s0 =	sadd.s32 $0x2820, s1;
	[sflag:s17] =	ssyncadd.s32 $0xFFFFD800  }
0x4e: {  	[tilespmem:s16], [sflag:$0x3] =	stream.indirect.gather.add.f32 [hbm:s3], $0x80, s0, s15, $0xb8;
	[tilespmem:$0x9F00] =	vst v63  }
0x4f: {  	_ =	swait.ge [sflag:s25], $0x2800  }
0x50: {  	[sflag:s25] =	ssyncset.done $0x0  }
0x51: {  	s0 =	sadd.s32 $0xF0, s1;
	[sflag:s25] =	ssyncadd.s32 $0xFFFFD800  }
0x52: {  	[tilespmem:s18], [sflag:$0x2] =	stream.indirect.gather [hbm4b:s3+s15], $0x80, s0, s15, $0xb8;
	[tilespmem:$0x9F00] =	vst v63  }
0x53: {  	_ =	swait.ge [sflag:s19], $0x2800  }
0x54: {  	[sflag:s19] =	ssyncset.done $0x0  }
0x55: {  	s0 =	sadd.s32 $0xFFFFFB00, s30;
	[sflag:s19] =	ssyncadd.s32 $0xFFFFD800  }
0x56: {  	[hbm4b:s0+s2] =	stream.linear.scatter [tilespmem:s16], [sflag:$0x5], $0x2800, $0x38;
	[tilespmem:$0x9F00] =	vst v63  }
0x57: {  	_ =	swait.ge [sflag:s20], $0x2800  }
0x58: {  	[sflag:s20] =	ssyncset.done $0x0  }
0x59: {  	s0 =	sadd.s32 $0x2870, s1;
	[sflag:s20] =	ssyncadd.s32 $0xFFFFD800  }
0x5a: {  	[tilespmem:s18], [sflag:$0x4] =	stream.indirect.gather.add.f32 [hbm:s3], $0x80, s0, s15, $0xb8;
	[tilespmem:$0x9F00] =	vst v63  }
0x5b: {  	_ =	swait.ge [sflag:s22], $0x2800  }
0x5c: {  	[sflag:s22] =	ssyncset.done $0x0  }
.Ltmp0:
0x5d: {  	s0 =	sadd.s32 $0x140, s1;
	[sflag:s22] =	ssyncadd.s32 $0xFFFFD800;
	(pc) =	sbr.rel @p0 .LBB2_2-.Ltmp0, $4  }
0x5e: {  	[tilespmem:s16], [sflag:$0x1] =	stream.indirect.gather [hbm4b:s3+s15], $0x80, s0, s15, $0xb8;
	[tilespmem:$0x9F00] =	vst v63  }
0x5f: {  	_ =	swait.ge [sflag:s24], $0x2800  }
0x60: {  	[sflag:s24] =	ssyncset.done $0x0  }
0x61: {  	s30 =	sadd.s32 $0xA00, s30;
	[sflag:s24] =	ssyncadd.s32 $0xFFFFD800  }
0x62: {  	[hbm4b:s31+s2] =	stream.linear.scatter [tilespmem:s18], [sflag:$0x6], $0x2800, $0x38;
	[tilespmem:$0x9F00] =	vst v63  }
0x63: {  	_ =	swait.ge [sflag:s25], $0x2800  }
0x64: {  	[sflag:s25] =	ssyncset.done $0x0  }
0x65: {  	[sflag:s25] =	ssyncadd.s32 $0xFFFFD800  }
0x66: {  	_ =	swait.ge [sflag:s17], $0x2800  }
0x67: {  	[sflag:s17] =	ssyncset.done $0x0  }
0x68: {  	[sflag:s17] =	ssyncadd.s32 $0xFFFFD800  }
0x69: {  	[tilespmem:s16], [sflag:$0x3] =	stream.indirect.gather.add.f32 [hbm:s3], $0x80, s26, s15, $0xb8;
	[tilespmem:$0x9F00] =	vst v63  }
0x6a: {  	s28 =	sadd.s32 $0x1, s28;
	_ =	swait.ge [sflag:s19], $0x2800  }
0x6b: {  	p0 =	sne.s32 s28, s8;
	[sflag:s19] =	ssyncset.done $0x0  }
.Ltmp1:
0x6c: {  	[sflag:s19] =	ssyncadd.s32 $0xFFFFD800;
	(pc) =	sbr.rel @p0 .LBB2_1-.Ltmp1, $4  }
0x6d: {  	[hbm4b:s6+s2] =	stream.linear.scatter [tilespmem:s16], [sflag:$0x5], $0x2800, $0x38;
	[tilespmem:$0x9F00] =	vst v63  }
0x6e: {  	_ =	swait.ge [sflag:s22], $0x2800  }
0x6f: {  	[sflag:s22] =	ssyncset.done $0x0  }
0x70: {  	[sflag:s22] =	ssyncadd.s32 $0xFFFFD800  }
0x71: {  	_ =	sfence.sel $0x180000  }
0x72: {  	[bflag:$0x0] =	sbarrier.arrive $0xFFFF  }
0x73: {  	_ =	strace $0x9000004D  }
0x74: {  	s0 =	stileid.u32;
	[bflag:$0x2] =	sbarrier.arrive $0xFFFF  }
0x75: {  	p0 =	sne.s32 s0, $0x0;
	s0 =	rddreg [dreg:$0x1]  }
0x76: {  	s0 =	sadd.s32 @!p0 $0x100000, s0  }
0x77: {  	[sflag:s0] =	ssyncadd.tile.s32 @!p0 $0x1;
	_ =	shalt  }
.Lfunc_end2:
_tile_overlayer_lowered:
.L_overlay_start_2:
0x78: {  	(tag) =	ssettag $0x2  }
0x79: {  	s0 =	rddreg [dreg:$0x0];
	s2 =	stileid.u32  }
0x7a: {  	s1 =	rddreg [dreg:$0x1];
	p0 =	sne.s32 s2, $0x0  }
0x7b: {  	s3 =	rddreg [dreg:$0x2];
	[bflag:$0x3] =	sbarrier.arrive $0xFFFF;
	s2 =	simm.s32 @!p0 $0x1C07  }
0x7c: {  	[timem:s3], [sflag:s2] =	dma.local @!p0 [hbm:s0], s1  }
0x7d: {  	s0 =	simm.s32 @!p0 $0x7  }
0x7e: {  	_ =	swait.ge @!p0 [sflag:s0], s1  }
0x7f: {  	s1 =	ssub.s32 @!p0 $0x0, s1;
	[sflag:s0] =	ssyncset.done @!p0 $0x0  }
0x80: {  	[sflag:s0] =	ssyncadd.s32 @!p0 s1  }
0x81: {  	[bflag:$0x3] =	sbarrier.arrive $0xFFFF  }
0x82: {  	_ =	shalt  }

// kernel: kernel.9.cloned.1.call-start
scs
__scs_entry_jumppad:
0x0: {  	(pc) =	sbr.rel $0x88, $3  }
0x1: {  	(tag) =	ssettag $0x0;
	lr =	simm.s32 $0x1  }
0x2: {  	[smem:$0x3F97] =	sst lr;
	_ =	strace $0xD0000000  }
0x3: {  	_ = 	snop  }
0x4: {  	_ = 	snop  }
0x5: {  	_ = 	snop  }
0x6: {  	_ = 	snop  }
0x7: {  	_ = 	snop  }
__scs_overlays_trampoline_lowered:
0x8: {  	[smem:$0x3FA6] =	sst s0  }
0x9: {  	[smem:$0x3FA7] =	sst s1  }
0xa: {  	[smem:$0x3FA8] =	sst s2  }
0xb: {  	[smem:$0x3FA9] =	sst s3  }
0xc: {  	[smem:$0x3FAA] =	sst s4  }
0xd: {  	[smem:$0x3FAB] =	sst s5  }
0xe: {  	[smem:$0x3FAC] =	sst s6  }
0xf: {  	[smem:$0x3FAD] =	sst s7  }
0x10: {  	[smem:$0x3FAE] =	sst s8  }
0x11: {  	[smem:$0x3FAF] =	sst s9;
	s0 =	simm.s32 @!p0 $0x0  }
0x12: {  	s1 =	sld [smem:$0x3F95];
	s0 =	simm.s32 @p0 $0x1  }
0x13: {  	[smem:$0x3FB0] =	sst s0;
	s0 =	simm.s32 @!p1 $0x0  }
0x14: {  	s2 =	sld [smem:$0x3F94];
	s0 =	simm.s32 @p1 $0x1  }
0x15: {  	[smem:$0x3FB1] =	sst s0;
	s0 =	simm.s32 @!p2 $0x0  }
0x16: {  	s3 =	sld [smem:$0x3FDB];
	s0 =	simm.s32 @p2 $0x1  }
0x17: {  	s4 =	simm.s32 $0x1BF5;
	[smem:$0x3FB3] =	sst s0  }
0x18: {  	s0 =	sld [smem:$0x3F96];
	_ =	swait.ge [sflag:s4], $0x0  }
0x19: {  	s7 =	sld [smem:$0x3F97]  }
0x1a: {  	s8 =	sadd.s32 $0xFFFFE003, lr  }
0x1b: {  	s9 =	sadd.s32 $0xFFFFFEF7, lr;
	s5 =	simm.s32 $0xFFFFFFFF;
	p2 =	slt.u32 s8, $0xFFFFF086  }
0x1c: {  	p1 =	slt.u32 s9, $0xF7A;
	s5 =	simm.s32 @!p2 $0x0  }
0x1d: {  	s5 =	simm.s32 @p1 $0x1;
	p0 =	seq.s32 s7, s2  }
0x1e: {  	s7 =	smul.u32 @!p0 $0xF7A, s2;
	p2 =	seq.s32 @!p0 s5, $0x0  }
0x1f: {  	s9 =	smul.u32 $0xF7A, s1;
	s8 =	simm.s32 @!p0 $0x1BF5;
	p2 =	por !p2, p0  }
0x20: {  	[sflag:s8] =	ssyncset.s32 @!p0 $0xFFFFF086;
	s6 =	sadd.s32 @!p0 s3, s7;
	s7 =	simm.s32 @!p0 $0x108  }
0x21: {  	s3 =	sadd.s32 s3, s9;
	s6 =	sadd.s32 @!p0 $0x88, s6;
	s7 =	simm.s32 @p2 $0x1082  }
0x22: {  	[simem:s7], [sflag:s8] =	dma.local @!p0 [hbm:s6], $0xF7A  }
0x23: {  	s9 =	sor.u32 $0xD0000000, s2;
	s6 =	simm.s32 $0x108;
	_ =	swait.ge @!p0 [sflag:s8], $0x0  }
0x24: {  	s3 =	sadd.s32 $0x88, s3;
	s6 =	simm.s32 @!p1 $0x1082;
	[sflag:s4] =	ssyncset.s32 $0xFFFFF086  }
0x25: {  	[simem:s6], [sflag:s4] =	dma.local [hbm:s3], $0xF7A  }
0x26: {  	[smem:$0x3F97] =	sst s1;
	(tag) =	ssettag s2;
	_ =	strace s9  }
0x27: {  	s1 =	sld [smem:$0x3FA7]  }
0x28: {  	s2 =	sld [smem:$0x3FA8]  }
0x29: {  	s4 =	sld [smem:$0x3FAA]  }
0x2a: {  	p0 =	seq.s32 s5, $0x0;
	s5 =	sld [smem:$0x3FAB]  }
0x2b: {  	s6 =	sld [smem:$0x3FAC]  }
0x2c: {  	s7 =	sld [smem:$0x3FAD]  }
0x2d: {  	s3 =	simm.s32 $0x108;
	s8 =	sld [smem:$0x3FAE]  }
0x2e: {  	s3 =	simm.s32 @!p0 $0x1082;
	s9 =	sld [smem:$0x3FAF]  }
0x2f: {  	lr =	sadd.s32 s0, s3;
	s0 =	sld [smem:$0x3FA6]  }
0x30: {  	s3 =	sld [smem:$0x3FA9]  }
0x31: {  	[smem:$0x3FB2] =	sst s10  }
0x32: {  	s10 =	sld [smem:$0x3FB0];
	_ =	sdelay $0x3  }
0x33: {  	p0 =	seq.s32 s10, $0x1;
	s10 =	sld [smem:$0x3FB2];
	_ =	sdelay $0x3  }
0x34: {  	[smem:$0x3FB2] =	sst s10  }
0x35: {  	s10 =	sld [smem:$0x3FB1];
	_ =	sdelay $0x3  }
0x36: {  	p1 =	seq.s32 s10, $0x1;
	s10 =	sld [smem:$0x3FB2];
	_ =	sdelay $0x3  }
0x37: {  	[smem:$0x3FB2] =	sst s10  }
0x38: {  	s10 =	sld [smem:$0x3FB3]  }
0x39: {  	_ = 	snop;
	(pc) =	sbr.ind lr, $3  }
0x3a: {  	_ = 	snop  }
0x3b: {  	_ = 	snop  }
0x3c: {  	p2 =	seq.s32 s10, $0x1;
	s10 =	sld [smem:$0x3FB2]  }
0x3d: {  	_ =	shalt  }
0x3e: {  	_ =	shalt  }
0x3f: {  	_ =	shalt  }
0x40: {  	_ =	shalt  }
0x41: {  	_ =	shalt  }
0x42: {  	_ =	shalt  }
0x43: {  	_ =	shalt  }
0x44: {  	_ =	shalt  }
0x45: {  	_ =	shalt  }
0x46: {  	_ =	shalt  }
0x47: {  	_ =	shalt  }
0x48: {  	_ =	shalt  }
0x49: {  	_ =	shalt  }
0x4a: {  	_ =	shalt  }
0x4b: {  	_ =	shalt  }
0x4c: {  	_ =	shalt  }
0x4d: {  	_ =	shalt  }
0x4e: {  	_ =	shalt  }
0x4f: {  	_ =	shalt  }
0x50: {  	_ =	shalt  }
0x51: {  	_ =	shalt  }
0x52: {  	_ =	shalt  }
0x53: {  	_ =	shalt  }
0x54: {  	_ =	shalt  }
0x55: {  	_ =	shalt  }
0x56: {  	_ =	shalt  }
0x57: {  	_ =	shalt  }
0x58: {  	_ =	shalt  }
0x59: {  	_ =	shalt  }
0x5a: {  	_ =	shalt  }
0x5b: {  	_ =	shalt  }
0x5c: {  	_ =	shalt  }
0x5d: {  	_ =	shalt  }
0x5e: {  	_ =	shalt  }
0x5f: {  	_ =	shalt  }
0x60: {  	_ =	shalt  }
0x61: {  	_ =	shalt  }
0x62: {  	_ =	shalt  }
0x63: {  	_ =	shalt  }
0x64: {  	_ =	shalt  }
0x65: {  	_ =	shalt  }
0x66: {  	_ =	shalt  }
0x67: {  	_ =	shalt  }
0x68: {  	_ =	shalt  }
0x69: {  	_ =	shalt  }
0x6a: {  	_ =	shalt  }
0x6b: {  	_ =	shalt  }
0x6c: {  	_ =	shalt  }
0x6d: {  	_ =	shalt  }
0x6e: {  	_ =	shalt  }
0x6f: {  	_ =	shalt  }
0x70: {  	_ =	shalt  }
0x71: {  	_ =	shalt  }
0x72: {  	_ =	shalt  }
0x73: {  	_ =	shalt  }
0x74: {  	_ =	shalt  }
0x75: {  	_ =	shalt  }
0x76: {  	_ =	shalt  }
0x77: {  	_ =	shalt  }
0x78: {  	_ =	shalt  }
0x79: {  	_ =	shalt  }
0x7a: {  	_ =	shalt  }
0x7b: {  	_ =	shalt  }
0x7c: {  	_ =	shalt  }
0x7d: {  	_ =	shalt  }
0x7e: {  	_ =	shalt  }
0x7f: {  	_ =	shalt  }
0x80: {  	_ =	shalt  }
0x81: {  	_ =	shalt  }
0x82: {  	_ =	shalt  }
0x83: {  	_ =	shalt  }
0x84: {  	_ =	shalt  }
0x85: {  	_ =	shalt  }
0x86: {  	_ =	shalt  }
0x87: {  	_ =	shalt  }
.Lfunc_end0:
.L_simem_size_0:
called_computation_lowered:
.L_overlay_start_0:
0x88: {  	s2 =	sld [smem:$0x3FD9]  }
0x89: {  	s3 =	sld [smem:$0x3FFE];
	_ =	sdelay $0x1  }
0x8a: {  	s1 =	srdreg.scid  }
0x8b: {  	s0 =	sand.u32 $0x1, s1  }
0x8c: {  	s17 =	sshll.u32 s0, $0xA;
	s2 =	sadd.s32 s3, s2  }
0x8d: {  	s2 =	sadd.s32 s2, s17  }
0x8e: {  	[smem:$0x3FBE] =	sst s2  }
0x8f: {  	_ = 	snop  }
0x90: {  	s2 =	sld [smem:$0x3FD0];
	(tm) =	ssettm $0x1  }
0x91: {  	s18 =	sld [smem:$0x3FFB];
	_ =	sdelay $0x3  }
0x92: {  	_ =	strace s18  }
0x93: {  	s3 =	sld [smem:$0x3FFC];
	_ =	sdelay $0x3  }
0x94: {  	_ =	strace s3  }
0x95: {  	s3 =	sld [smem:$0x3FFD];
	_ =	sdelay $0x3  }
0x96: {  	_ =	strace s3  }
0x97: {  	_ =	strace $0x8FFFFFFF  }
0x98: {  	s19 =	sld [smem:$0x3FDB];
	_ =	sdelay $0x1  }
0x99: {  	s4 =	simm.s32 $_scs_section_size  }
0x9a: {  	s5 =	simm.s32 $_size__tile_overlayer_lowered;
	s6 =	simm.s32 $_tile_overlayer_lowered  }
0x9b: {  	s22 =	simm.s32 $0x1BFF;
	s21 =	sshll.u32 s6, $0x1;
	s3 =	sadd.s32 s4, s19  }
0x9c: {  	s7 =	simm.s32 $0x0;
	s20 =	sshll.u32 s5, $0x1;
	s5 =	sadd.s32 s21, s3  }
0x9d: {  	[timem:s7], [sflag:s22] =	dma.local [hbm:s5], s20  }
0x9e: {  	_ =	swait.ge [sflag:s22], s20  }
0x9f: {  	s4 =	ssub.s32 $0x0, s20;
	[sflag:s22] =	ssyncset.done $0x0  }
0xa0: {  	[sflag:s22] =	ssyncadd.s32 s4;
	_ =	sdelay $0x1  }
0xa1: {  	s23 =	simm.s32 $0x1B8B  }
0xa2: {  	_ =	swait.ge [sflag:s23], $0x1  }
0xa3: {  	[sflag:s23] =	ssyncset.done $0x0  }
0xa4: {  	s25 =	simm.s32 $0x1B8E;
	s24 =	sld [smem:$0x3FFE];
	[sflag:s23] =	ssyncadd.s32 $0xFFFFFFFF  }
0xa5: {  	s26 =	simm.s32 $execute0_lowered;
	[smem:$0x3FD2] =	sst s25  }
0xa6: {  	s5 =	sshll.u32 s26, $0x1;
	_ =	strace $0x80000046;
	[dreg:$0x1] =	wrdreg $0xFFFFFFFF  }
0xa7: {  	s28 =	simm.s32 $_size_execute0_lowered;
	s3 =	sadd.s32 s3, s5;
	[dreg:$0x0] =	wrdreg $0x0  }
0xa8: {  	s5 =	sshll.u32 s28, $0x1;
	[dreg:$0x2] =	wrdreg s3  }
0xa9: {  	[dreg:$0x3] =	wrdreg s5  }
0xaa: {  	[dreg:$0x4] =	wrdreg $0xC0  }
0xab: {  	_ =	task [dreg:s7], $0x5FFFF  }
0xac: {  	[dreg:$0x1] =	wrdreg $0xFFFFFFFF  }
0xad: {  	[dreg:$0x0] =	wrdreg $0x60  }
0xae: {  	[dreg:$0x2] =	wrdreg s2  }
0xaf: {  	[dreg:$0x3] =	wrdreg s24  }
0xb0: {  	[dreg:$0x4] =	wrdreg $0x0  }
0xb1: {  	[dreg:$0x5] =	wrdreg $0x9  }
0xb2: {  	_ =	task.clear_ibuf [dreg:s7], $0x6FFFF;
	_ =	strace $0x90000046  }
0xb3: {  	s29 =	simm.s32 $0x9;
	_ =	strace $0x80000048  }
0xb4: {  	_ =	swait.ge [sflag:s29], $0x1  }
0xb5: {  	[sflag:s29] =	ssyncadd.s32 $0xFFFFFFFF  }
0xb6: {  	_ =	strace $0x90000048  }
0xb7: {  	_ =	sfence  }
0xb8: {  	s30 =	sld [smem:$0x0];
	_ =	sdelay $0x2  }
0xb9: {  	s31 =	sshll.u32 s1, $0xD;
	s1 =	sshrl.u32 s1, $0x2  }
0xba: {  	s3 =	sand.u32 $0x4000, s31;
	s1 =	sadd.s32 s1, s30  }
0xbb: {  	s0 =	sor.u32 s3, s0;
	s1 =	sshll.u32 s1, $0x11  }
0xbc: {  	s0 =	sor.u32 s1, s0  }
0xbd: {  	s0 =	sadd.s32 $0x8F2B, s0  }
0xbe: {  	[sflag:s0] =	ssyncadd.remote.s32 $0x1  }
0xbf: {  	_ =	sfence.sel $0xFFFF  }
0xc0: {  	[dreg:$0x0] =	wrdreg $0xFFFFFFFF;
	(pc) =	sbr.abs _section_cstart, $3  }
0xc1: {  	[dreg:$0x1] =	wrdreg $0xFFFFFFFF  }
0xc2: {  	_ =	task.clear_ibuf [dreg:s7], $0x2FFFF;
	_ =	strace $0x9FFFFFFF  }
0xc3: {  	(tm) =	ssettm $0x7FFFFFFF  }
tec
execute0_lowered:
.L_overlay_start_1:
0x0: {  	(tag) =	ssettag $0x1  }
0x1: {  	s6 =	rddreg [dreg:$0x0]  }
0x2: {  	s7 =	rddreg [dreg:$0x1]  }
0x3: {  	s2 =	rddreg [dreg:$0x2]  }
0x4: {  	s0 =	rddreg [dreg:$0x3];
	s4 =	srdreg.scid  }
0x5: {  	s1 =	stileid.u32;
	s3 =	simm.s32 $0x0;
	s13 =	simm.s32 $0x6780  }
0x6: {  	s14 =	simm.s32 $0x50;
	s15 =	simm.s32 $0x2800;
	s16 =	simm.s32 $0x2880  }
0x7: {  	s17 =	simm.s32 $0x2900;
	s18 =	simm.s32 $0x2980;
	s19 =	simm.s32 $0x1  }
0x8: {  	s20 =	simm.s32 $0x0;
	s8 =	sand.u32 $0x1, s4;
	s9 =	smul.u32 $0x2780, s1  }
0x9: {  	[smem:$0x7FF] =	sst s3;
	s4 =	sadd.s32 $0x3000, s7;
	s11 =	smul.u32 $0x4F000, s1  }
0xa: {  	s5 =	sadd.s32 $0x2A00, s7;
	s31 =	sshll.u32 s1, $0x6;
	s12 =	sshll.u32 s1, $0xC  }
0xb: {  	s10 =	smul.u32 $0x27800, s8;
	_ =	strace $0x80000047;
	s28 =	ssub.s32 $0x2, s8  }
0xc: {  	s30 =	sshll.u32 s8, $0xB;
	s29 =	sshrl.u32 s28, $0x1;
	s11 =	sshrl.u32 s11, $0x2  }
0xd: {  	s9 =	sadd.s32 s9, s10;
	s10 =	ssub.s32 s28, s29;
	s11 =	sadd.s32 s11, s2  }
0xe: {  	s9 =	sadd.s32 s9, s7;
	s7 =	sadd.s32 s6, s30;
	s6 =	sor.u32 $0x1C02, s31  }
0xf: {  	s7 =	sadd.s32 s12, s7;
	s8 =	sadd.s32 $0x5800, s9;
	s9 =	smax.u32 s10, $0x1  }
0x10: {  	s10 =	sshrl.u32 s11, $0x3;
	s11 =	simm.s32 $0x2;
	s12 =	simm.s32 $0x2780  }
.LBB2_1:
0x11: {  	[spmem:s10], [sflag:s6] =	dma.local [hbm:s4], $0x2780  }
0x12: {  	_ =	swait.ge [sflag:s11], $0x2780  }
0x13: {  	[sflag:s11] =	ssyncset.done $0x0  }
0x14: {  	[sflag:s11] =	ssyncadd.s32 $0xFFFFD880  }
0x15: {  	[tilespmem:s12], [sflag:$0x2] =	stream.linear.gather [hbm4b:s7+s3], $0x3E80, $0x38;
	[tilespmem:$0x8F80] =	vst v63  }
0x16: {  	_ =	swait.ge [sflag:s11], $0x3E80  }
0x17: {  	[sflag:s11] =	ssyncset.done $0x0  }
0x18: {  	[sflag:s11] =	ssyncadd.s32 $0xFFFFC180  }
0x19: {  	[tilespmem:s13], [sflag:$0x2] =	stream.linear.gather [hbm4b:s5+s3], $0x2800, $0x38;
	[tilespmem:$0x8F80] =	vst v63  }
0x1a: {  	_ =	swait.ge [sflag:s11], $0x2800  }
0x1b: {  	[sflag:s11] =	ssyncset.done $0x0  }
0x1c: {  	[sflag:s11] =	ssyncadd.s32 $0xFFFFD800  }
0x1d: {  	[bflag:$0x0] =	sbarrier.arrive $0xFFFF  }
0x1e: {  	[spmem:s2] =	stream.indirect.scatter.add.f32 [tilespmem:s13], [sflag:$0x1], $0x10, s12, s14, $0xb8;
	[tilespmem:$0x8F80] =	vst v63  }
0x1f: {  	_ = 	snop  }
0x20: {  	[spmem:s2] =	stream.indirect.scatter.add.f32 [tilespmem:s13], [sflag:$0x1], $0x10, s15, s14, $0xb8;
	[tilespmem:$0x8F80] =	vst v63  }
0x21: {  	_ = 	snop  }
0x22: {  	[spmem:s2] =	stream.indirect.scatter.add.f32 [tilespmem:s13], [sflag:$0x1], $0x10, s16, s14, $0xb8;
	[tilespmem:$0x8F80] =	vst v63  }
0x23: {  	_ = 	snop  }
0x24: {  	[spmem:s2] =	stream.indirect.scatter.add.f32 [tilespmem:s13], [sflag:$0x1], $0x10, s17, s14, $0xb8;
	[tilespmem:$0x8F80] =	vst v63  }
0x25: {  	_ = 	snop  }
0x26: {  	[spmem:s2] =	stream.indirect.scatter.add.f32 [tilespmem:s13], [sflag:$0x1], $0x10, s18, s14, $0xb8;
	[tilespmem:$0x8F80] =	vst v63  }
0x27: {  	s21 =	simm.s32 $0x2A00  }
0x28: {  	[spmem:s2] =	stream.indirect.scatter.add.f32 [tilespmem:s13], [sflag:$0x1], $0x10, s21, s14, $0xb8;
	[tilespmem:$0x8F80] =	vst v63  }
0x29: {  	s28 =	simm.s32 $0x2A80  }
0x2a: {  	[spmem:s2] =	stream.indirect.scatter.add.f32 [tilespmem:s13], [sflag:$0x1], $0x10, s28, s14, $0xb8;
	[tilespmem:$0x8F80] =	vst v63  }
0x2b: {  	s29 =	simm.s32 $0x2B00  }
0x2c: {  	[spmem:s2] =	stream.indirect.scatter.add.f32 [tilespmem:s13], [sflag:$0x1], $0x10, s29, s14, $0xb8;
	[tilespmem:$0x8F80] =	vst v63  }
0x2d: {  	s30 =	simm.s32 $0x2B80  }
0x2e: {  	[spmem:s2] =	stream.indirect.scatter.add.f32 [tilespmem:s13], [sflag:$0x1], $0x10, s30, s14, $0xb8;
	[tilespmem:$0x8F80] =	vst v63  }
0x2f: {  	s31 =	simm.s32 $0x2C00  }
0x30: {  	[spmem:s2] =	stream.indirect.scatter.add.f32 [tilespmem:s13], [sflag:$0x1], $0x10, s31, s14, $0xb8;
	[tilespmem:$0x8F80] =	vst v63  }
0x31: {  	_ =	swait.ge [sflag:s19], $0x500  }
0x32: {  	[sflag:s19] =	ssyncset.done $0x0  }
0x33: {  	[sflag:s19] =	ssyncadd.s32 $0xFFFFFB00  }
0x34: {  	_ =	swait.ge [sflag:s19], $0x500  }
0x35: {  	[sflag:s19] =	ssyncset.done $0x0  }
0x36: {  	[sflag:s19] =	ssyncadd.s32 $0xFFFFFB00  }
0x37: {  	_ =	swait.ge [sflag:s19], $0x500  }
0x38: {  	[sflag:s19] =	ssyncset.done $0x0  }
0x39: {  	[sflag:s19] =	ssyncadd.s32 $0xFFFFFB00  }
0x3a: {  	_ =	swait.ge [sflag:s19], $0x500  }
0x3b: {  	[sflag:s19] =	ssyncset.done $0x0  }
0x3c: {  	[sflag:s19] =	ssyncadd.s32 $0xFFFFFB00  }
0x3d: {  	_ =	swait.ge [sflag:s19], $0x500  }
0x3e: {  	s22 =	simm.s32 $0xFFFF2400;
	s21 =	simm.s32 $0xFFFFC680;
	[sflag:s19] =	ssyncset.done $0x0  }
.LBB2_2:
0x3f: {  	s23 =	sadd.s32 $0x6600, s21  }
0x40: {  	[sflag:s19] =	ssyncadd.s32 $0xFFFFFB00;
	s24 =	smov.u32 s22;
	s25 =	sadd.s32 $0xA00, s22  }
0x41: {  	[spmem:s2] =	stream.indirect.scatter.add.f32 [tilespmem:s13], [sflag:$0x1], $0x10, s23, s14, $0xb8;
	[tilespmem:$0x8F80] =	vst v63  }
0x42: {  	p0 =	sne.s32 s22, $0xFFFFF600;
	s22 =	sadd.s32 $0x6680, s21  }
0x43: {  	[spmem:s2] =	stream.indirect.scatter.add.f32 [tilespmem:s13], [sflag:$0x1], $0x10, s22, s14, $0xb8;
	[tilespmem:$0x8F80] =	vst v63  }
0x44: {  	s22 =	sadd.s32 $0x6700, s21  }
0x45: {  	[spmem:s2] =	stream.indirect.scatter.add.f32 [tilespmem:s13], [sflag:$0x1], $0x10, s22, s14, $0xb8;
	[tilespmem:$0x8F80] =	vst v63  }
0x46: {  	s22 =	sadd.s32 $0x6780, s21  }
0x47: {  	[spmem:s2] =	stream.indirect.scatter.add.f32 [tilespmem:s13], [sflag:$0x1], $0x10, s22, s14, $0xb8;
	[tilespmem:$0x8F80] =	vst v63  }
0x48: {  	s21 =	sadd.s32 $0x6800, s21  }
0x49: {  	[spmem:s2] =	stream.indirect.scatter.add.f32 [tilespmem:s13], [sflag:$0x1], $0x10, s21, s14, $0xb8;
	[tilespmem:$0x8F80] =	vst v63  }
0x4a: {  	_ =	swait.ge [sflag:s19], $0x500  }
0x4b: {  	[sflag:s19] =	ssyncset.done $0x0  }
0x4c: {  	[sflag:s19] =	ssyncadd.s32 $0xFFFFFB00  }
0x4d: {  	_ =	swait.ge [sflag:s19], $0x500  }
0x4e: {  	[sflag:s19] =	ssyncset.done $0x0  }
0x4f: {  	[sflag:s19] =	ssyncadd.s32 $0xFFFFFB00  }
0x50: {  	_ =	swait.ge [sflag:s19], $0x500  }
0x51: {  	[sflag:s19] =	ssyncset.done $0x0  }
0x52: {  	[sflag:s19] =	ssyncadd.s32 $0xFFFFFB00  }
.Ltmp0:
0x53: {  	_ =	swait.ge [sflag:s19], $0x500;
	(pc) =	sbr.rel @p0 .LBB2_2-.Ltmp0, $4  }
0x54: {  	[sflag:s19] =	ssyncset.done $0x0  }
0x55: {  	[sflag:s19] =	ssyncadd.s32 $0xFFFFFB00  }
0x56: {  	_ =	swait.ge [sflag:s19], $0x500  }
0x57: {  	s22 =	smov.u32 s25;
	s21 =	sshra.s32 s24, $0x2;
	[sflag:s19] =	ssyncset.done $0x0  }
0x58: {  	s22 =	sadd.s32 $0x6600, s21;
	[sflag:s19] =	ssyncadd.s32 $0xFFFFFB00  }
0x59: {  	[spmem:s2] =	stream.indirect.scatter.add.f32 [tilespmem:s13], [sflag:$0x1], $0x10, s22, s14, $0xb8;
	[tilespmem:$0x8F80] =	vst v63  }
0x5a: {  	s28 =	sadd.s32 $0x6680, s21  }
0x5b: {  	[spmem:s2] =	stream.indirect.scatter.add.f32 [tilespmem:s13], [sflag:$0x1], $0x10, s28, s14, $0xb8;
	[tilespmem:$0x8F80] =	vst v63  }
0x5c: {  	s29 =	sadd.s32 $0x6700, s21  }
0x5d: {  	[spmem:s2] =	stream.indirect.scatter.add.f32 [tilespmem:s13], [sflag:$0x1], $0x10, s29, s14, $0xb8;
	[tilespmem:$0x8F80] =	vst v63  }
0x5e: {  	s30 =	sadd.s32 $0x6780, s21  }
0x5f: {  	[spmem:s2] =	stream.indirect.scatter.add.f32 [tilespmem:s13], [sflag:$0x1], $0x10, s30, s14, $0xb8;
	[tilespmem:$0x8F80] =	vst v63  }
0x60: {  	s31 =	sadd.s32 $0x6800, s21  }
0x61: {  	[spmem:s2] =	stream.indirect.scatter.add.f32 [tilespmem:s13], [sflag:$0x1], $0x10, s31, s14, $0xb8;
	[tilespmem:$0x8F80] =	vst v63  }
0x62: {  	_ =	swait.ge [sflag:s19], $0x500  }
0x63: {  	[sflag:s19] =	ssyncset.done $0x0  }
0x64: {  	[sflag:s19] =	ssyncadd.s32 $0xFFFFFB00  }
0x65: {  	_ =	swait.ge [sflag:s19], $0x500  }
0x66: {  	[sflag:s19] =	ssyncset.done $0x0  }
0x67: {  	[sflag:s19] =	ssyncadd.s32 $0xFFFFFB00  }
0x68: {  	_ =	swait.ge [sflag:s19], $0x500  }
0x69: {  	[sflag:s19] =	ssyncset.done $0x0  }
0x6a: {  	[sflag:s19] =	ssyncadd.s32 $0xFFFFFB00  }
0x6b: {  	_ =	swait.ge [sflag:s19], $0x500  }
0x6c: {  	[sflag:s19] =	ssyncset.done $0x0  }
0x6d: {  	[sflag:s19] =	ssyncadd.s32 $0xFFFFFB00  }
0x6e: {  	_ =	swait.ge [sflag:s19], $0x500  }
0x6f: {  	[sflag:s19] =	ssyncset.done $0x0  }
0x70: {  	[sflag:s19] =	ssyncadd.s32 $0xFFFFFB00  }
0x71: {  	_ =	swait.ge [sflag:s19], $0x500  }
0x72: {  	[sflag:s19] =	ssyncset.done $0x0  }
0x73: {  	[sflag:s19] =	ssyncadd.s32 $0xFFFFFB00  }
0x74: {  	_ =	swait.ge [sflag:s19], $0x500  }
0x75: {  	[sflag:s19] =	ssyncset.done $0x0  }
0x76: {  	[sflag:s19] =	ssyncadd.s32 $0xFFFFFB00  }
0x77: {  	_ =	swait.ge [sflag:s19], $0x500  }
0x78: {  	[sflag:s19] =	ssyncset.done $0x0  }
0x79: {  	[sflag:s19] =	ssyncadd.s32 $0xFFFFFB00  }
0x7a: {  	_ =	swait.ge [sflag:s19], $0x500  }
0x7b: {  	[sflag:s19] =	ssyncset.done $0x0  }
0x7c: {  	[sflag:s19] =	ssyncadd.s32 $0xFFFFFB00  }
0x7d: {  	_ =	swait.ge [sflag:s19], $0x500  }
0x7e: {  	s20 =	sadd.s32 $0x1, s20;
	[sflag:s19] =	ssyncset.done $0x0  }
0x7f: {  	p0 =	sne.s32 s20, s9;
	[sflag:s19] =	ssyncadd.s32 $0xFFFFFB00  }
.Ltmp1:
0x80: {  	[bflag:$0x0] =	sbarrier.arrive $0xFFFF;
	(pc) =	sbr.rel @p0 .LBB2_1-.Ltmp1, $4  }
0x81: {  	[hbm:s8], [sflag:s6] =	dma.local [spmem:s10], $0x2780  }
0x82: {  	_ =	swait.ge [sflag:s11], $0x2780  }
0x83: {  	[sflag:s11] =	ssyncset.done $0x0  }
0x84: {  	[sflag:s11] =	ssyncadd.s32 $0xFFFFD880  }
0x85: {  	_ =	sfence.sel $0x180000  }
0x86: {  	[bflag:$0x0] =	sbarrier.arrive $0xFFFF  }
0x87: {  	p0 =	sne.s32 s1, $0x0;
	_ =	strace $0x90000047  }
0x88: {  	s0 =	sadd.s32 @!p0 $0x100000, s0;
	[bflag:$0x2] =	sbarrier.arrive $0xFFFF  }
0x89: {  	[sflag:s0] =	ssyncadd.tile.s32 @!p0 $0x1;
	_ =	shalt  }
.Lfunc_end2:
_tile_overlayer_lowered:
.L_overlay_start_2:
0x8a: {  	(tag) =	ssettag $0x2  }
0x8b: {  	s0 =	rddreg [dreg:$0x0];
	s2 =	stileid.u32  }
0x8c: {  	s1 =	rddreg [dreg:$0x1];
	p0 =	sne.s32 s2, $0x0  }
0x8d: {  	s3 =	rddreg [dreg:$0x2];
	[bflag:$0x3] =	sbarrier.arrive $0xFFFF;
	s2 =	simm.s32 @!p0 $0x1C02  }
0x8e: {  	[timem:s3], [sflag:s2] =	dma.local @!p0 [hbm:s0], s1  }
0x8f: {  	s0 =	simm.s32 @!p0 $0x2  }
0x90: {  	_ =	swait.ge @!p0 [sflag:s0], s1  }
0x91: {  	s1 =	ssub.s32 @!p0 $0x0, s1;
	[sflag:s0] =	ssyncset.done @!p0 $0x0  }
0x92: {  	[sflag:s0] =	ssyncadd.s32 @!p0 s1  }
0x93: {  	[bflag:$0x3] =	sbarrier.arrive $0xFFFF  }
0x94: {  	_ =	shalt  }

</sc_bundles>
